<compile_context>
chip_gen: v7x
topology: tpu7x:2x2x1
jax: 0.10.2.dev20260603
libtpu: 0.0.44.dev20260713+nightly
codegen_flags: <defaults>
</compile_context>

<pallas_src>
import functools

import jax
import jax.numpy as jnp
from jax import lax
from jax.experimental import pallas as pl
from jax.experimental.pallas import tpu as pltpu
from jax.experimental.pallas import tpu_sc as plsc

_K = 16
_X_MIN = -3.0
_X_MAX = 3.0
_INV_STEP = (_K - 1) / (_X_MAX - _X_MIN)
_L = 16
_CHUNK = 16384
_U_MAX = float.fromhex("0x1.dffffep+3")


@functools.cache
def _make_spline(n, c):
    info = plsc.get_sparse_core_info()
    nw = info.num_cores * info.num_subcores
    per_tile = n // nw
    assert per_tile * nw == n and per_tile % _CHUNK == 0 and _CHUNK % c == 0
    n_chunks = per_tile // _CHUNK
    assert n_chunks % 2 == 0
    vecs = c // _L
    n_vec = _CHUNK // _L

    mesh = plsc.VectorSubcoreMesh(core_axis_name="core", subcore_axis_name="sub")

    @functools.partial(
        pl.kernel,
        mesh=mesh,
        out_type=jax.ShapeDtypeStruct((n,), jnp.float32),
        compiler_params=pltpu.CompilerParams(needs_layout_passes=False),
        scratch_types=[
            pltpu.VMEM((c * _K + _L,), jnp.float32),
            pltpu.VMEM((c * _K,), jnp.int32),
            pltpu.VMEM((2 * _CHUNK,), jnp.float32),
            pltpu.VMEM((2 * _CHUNK,), jnp.float32),
            pltpu.SemaphoreType.DMA((2,)),
            pltpu.SemaphoreType.DMA((2,)),
        ],
    )
    def spline(x_hbm, ky_hbm, out_hbm, table, packed, xb, ob, insem, outsem):
        wid = lax.axis_index("sub") * info.num_cores + lax.axis_index("core")
        base = wid * per_tile
        pltpu.sync_copy(ky_hbm, table.at[pl.ds(0, c * _K)])
        lane_c16 = lax.iota(jnp.int32, _L) * _K

        @plsc.parallel_loop(0, c * _K // _L, unroll=4)
        def _(jt):
            e = jt * _L
            y0 = table[pl.ds(e, _L)]
            y1 = table[pl.ds(e + 1, _L)]
            b0 = plsc.bitcast(y0, jnp.int32)
            bd = plsc.bitcast(y1 - y0, jnp.int32)
            r0 = (b0 + (0x7FFF + ((b0 >> 16) & 1))) & jnp.int32(-65536)
            rd = (bd + (0x7FFF + ((bd >> 16) & 1))) >> 16
            packed[pl.ds(e, _L)] = r0 | (rd & 0xFFFF)

        def in_copy(ci, slot):
            return pltpu.make_async_copy(
                x_hbm.at[pl.ds(base + ci * _CHUNK, _CHUNK)],
                xb.at[pl.ds(slot * _CHUNK, _CHUNK)], insem.at[slot])

        def out_copy(ci, slot):
            return pltpu.make_async_copy(
                ob.at[pl.ds(slot * _CHUNK, _CHUNK)],
                out_hbm.at[pl.ds(base + ci * _CHUNK, _CHUNK)],
                outsem.at[slot])

        in_copy(0, 0).start()

        def do_pair(g, carry):
            for b in range(2):
                ci = g * 2 + b
                slot = b

                @pl.when(ci + 1 < n_chunks)
                def _():
                    in_copy(ci + 1, 1 - slot).start()

                in_copy(ci, slot).wait()

                @pl.when(ci >= 2)
                def _():
                    out_copy(ci - 2, slot).wait()

                sbase = slot * _CHUNK

                @plsc.parallel_loop(0, n_vec, unroll=8)
                def _(j):
                    s = sbase + j * _L
                    cb = (j & (vecs - 1)) * (_L * _K)
                    vx = xb[pl.ds(s, _L)]
                    u = jnp.minimum(
                        jnp.maximum(vx * _INV_STEP + (-_X_MIN * _INV_STEP), 0.0),
                        _U_MAX)
                    bi = u.astype(jnp.int32)
                    t = u - bi.astype(jnp.float32)
                    w = plsc.load_gather(packed.at[pl.ds(cb, _L * _K)],
                                         [bi + lane_c16])
                    y0 = plsc.bitcast(w, jnp.float32)
                    dy = plsc.bitcast(w << 16, jnp.float32)
                    ob[pl.ds(s, _L)] = y0 + t * dy

                out_copy(ci, slot).start()
            return carry

        lax.fori_loop(0, n_chunks // 2, do_pair, 0)
        out_copy(n_chunks - 2, 0).wait()
        out_copy(n_chunks - 1, 1).wait()

    return spline


def kernel(x, knots_y):
    b, h, w, c = x.shape
    n = b * h * w * c
    out = _make_spline(n, c)(x.reshape(n), knots_y.reshape(c * _K))
    return out.reshape(x.shape)

# --- scband reference (transcript-rebuilt; emitter-appended) ---
"""Pipeline reference for scband-flex-spline-45767171506727 (READ-ONLY COPY).

The authoritative reference and input builder live on the scoring server;
editing this copy changes nothing except your own understanding.
"""

import jax, jax.numpy as jnp
import numpy as np

N_KNOTS = 16
X_MIN = -3.0
X_MAX = 3.0
B, H, W, C = 2, 8192, 1, 1024


def setup_inputs(seed: int = 0) -> dict:
    key = jax.random.key(seed)
    k1, k2 = jax.random.split(key)
    x = jax.random.normal(k1, (B, H, W, C), dtype=jnp.float32)
    # learned parameter knots_y (lazy-initialized in the torch module on first forward).
    # channel mode -> base shape (1,1,C) + (n_knots,) => (1,1,C,K).
    # Initialize as identity spline (knots_y == knots_x per channel) plus tiny noise so
    # the gather/interp math is exercised with non-degenerate values.
    knots_x = jnp.linspace(X_MIN, X_MAX, N_KNOTS, dtype=jnp.float32)
    base = jnp.broadcast_to(knots_x.reshape(1, 1, 1, N_KNOTS), (1, 1, C, N_KNOTS))
    knots_y = base + 0.01 * jax.random.normal(k2, (1, 1, C, N_KNOTS), dtype=jnp.float32)
    return {"x": x, "knots_y": knots_y}


def reference(x, knots_y):
    # FlexSpline.forward (mode='channel'):
    #   clamp -> bucketize -> gather knot endpoints -> linear interpolation
    knots_x = jnp.linspace(X_MIN, X_MAX, N_KNOTS, dtype=x.dtype)
    x_clamped = jnp.clip(x, X_MIN, X_MAX)
    # torch.bucketize(v, boundaries) (right=False) == searchsorted side='left'
    idx = jnp.searchsorted(knots_x, x_clamped, side='left') - 1
    idx = jnp.clip(idx, 0, N_KNOTS - 2)
    x0 = knots_x[idx]
    x1 = knots_x[idx + 1]
    b, h, w, c = x.shape
    # channel mode: knots_y is (1,1,C,K); y[b,h,w,c] = ky[c, idx[b,h,w,c]]
    ky = knots_y.reshape(c, N_KNOTS)
    cidx = jnp.arange(c).reshape(1, 1, 1, c)
    y0 = ky[cidx, idx]
    y1 = ky[cidx, idx + 1]
    t = (x_clamped - x0) / (x1 - x0 + 1e-12)
    return y0 + t * (y1 - y0)

if __name__ == "__main__":
    import jax
    _d = setup_inputs()
    print(jax.jit(kernel)(*tuple(_d.values())))

</pallas_src>

<mosaic_0001>
#map = affine_map<(d0, d1) -> (0)>
module attributes {stable_mosaic.version = 14 : i64} {
  func.func @spline(%arg0: i32, %arg1: i32, %arg2: memref<16777216xf32, #tpu.memory_space<hbm>>, %arg3: memref<16384xf32, #tpu.memory_space<hbm>>, %arg4: memref<16777216xf32, #tpu.memory_space<hbm>>, %arg5: memref<16400xf32, #tpu.memory_space<vmem>>, %arg6: memref<16384xi32, #tpu.memory_space<vmem>>, %arg7: memref<32768xf32, #tpu.memory_space<vmem>>, %arg8: memref<32768xf32, #tpu.memory_space<vmem>>, %arg9: memref<2x!tpu.dma_semaphore, #tpu.memory_space<semaphore_mem>>, %arg10: memref<2x!tpu.dma_semaphore, #tpu.memory_space<semaphore_mem>>) attributes {dimension_semantics = [#tpu.dimension_semantics<core_parallel>, #tpu.dimension_semantics<subcore_parallel>], iteration_bounds = array<i64: 2, 16>, scalar_prefetch = 0 : i64, scratch_operands = 6 : i64, tpu.core_type = #tpu.core_type<sc_vector_subcore>, window_params = [{transform_indices = #map}, {transform_indices = #map}, {transform_indices = #map}]} {
    %mul3A = arith.constant 2 : i32
    %mul3A_0 = arith.muli %arg1, %mul3A : i32
    %add3A = arith.addi %mul3A_0, %arg0 : i32
    %mul3A_1 = arith.constant 524288 : i32
    %mul3A_2 = arith.muli %add3A, %mul3A_1 : i32
    "tpu.region"() ({
      %run_scoped3A = tpu.sem_alloc : memref<!tpu.dma_semaphore, #tpu.memory_space<semaphore_mem>>
      %dma_start3A_44 = arith.constant 0 : i32
      %dma_start3A_45 = tpu.memref_slice %arg5[%dma_start3A_44] : memref<16400xf32, #tpu.memory_space<vmem>> -> memref<16384xf32, #tpu.memory_space<vmem>>
      %dma_start3A_46 = arith.constant 0 : i32
      %dma_start3A_47 = tpu.memref_slice %arg5[%dma_start3A_46] : memref<16400xf32, #tpu.memory_space<vmem>> -> memref<16384xf32, #tpu.memory_space<vmem>>
      tpu.enqueue_dma source(%arg3 : memref<16384xf32, #tpu.memory_space<hbm>>) target(%dma_start3A_47 : memref<16384xf32, #tpu.memory_space<vmem>>) target_semaphore(%run_scoped3A : memref<!tpu.dma_semaphore, #tpu.memory_space<semaphore_mem>>)
      %dma_wait3A_48 = arith.constant 0 : i32
      %dma_wait3A_49 = tpu.memref_slice %arg5[%dma_wait3A_48] : memref<16400xf32, #tpu.memory_space<vmem>> -> memref<16384xf32, #tpu.memory_space<vmem>>
      %dma_wait3A_50 = arith.constant 0 : i32
      %dma_wait3A_51 = tpu.memref_slice %arg5[%dma_wait3A_50] : memref<16400xf32, #tpu.memory_space<vmem>> -> memref<16384xf32, #tpu.memory_space<vmem>>
      tpu.wait_dma2 semaphore(%run_scoped3A : memref<!tpu.dma_semaphore, #tpu.memory_space<semaphore_mem>>) src(%arg3 : memref<16384xf32, #tpu.memory_space<hbm>>) dst(%dma_wait3A_51 : memref<16384xf32, #tpu.memory_space<vmem>>)
      tpu.yield
    }) : () -> ()
    %iota3A = tpu.iota {dimensions = array<i32: 0>} : vector<16xi32>
    %mul3A_3 = arith.constant 16 : i32
    %mul3A_4 = vector.broadcast %mul3A_3 : i32 to vector<16xi32>
    %mul3A_5 = arith.muli %iota3A, %mul3A_4 : vector<16xi32>
    %parallel_loop3A = arith.constant 0 : i32
    %parallel_loop3A_6 = arith.constant 1024 : i32
    %parallel_loop3A_7 = arith.constant 1 : i32
    scf.for %parallel_loop3A_44 = %parallel_loop3A to %parallel_loop3A_6 step %parallel_loop3A_7  : i32 {
      %parallel_loop3A_45 = arith.constant 16 : i32
      %parallel_loop3A_46 = arith.muli %parallel_loop3A_44, %parallel_loop3A_45 : i32
      %parallel_loop3A_47 = arith.index_cast %parallel_loop3A_46 : i32 to index
      %parallel_loop3A_48 = tpu.vector_load %arg5[%parallel_loop3A_47] {strides = array<i32>} : memref<16400xf32, #tpu.memory_space<vmem>>, vector<16xf32>,
      %parallel_loop3A_49 = arith.constant 1 : i32
      %parallel_loop3A_50 = arith.addi %parallel_loop3A_46, %parallel_loop3A_49 : i32
      %parallel_loop3A_51 = arith.index_cast %parallel_loop3A_50 : i32 to index
      %parallel_loop3A_52 = tpu.vector_load %arg5[%parallel_loop3A_51] {strides = array<i32>} : memref<16400xf32, #tpu.memory_space<vmem>>, vector<16xf32>,
      %parallel_loop3A_53 = vector.bitcast %parallel_loop3A_48 : vector<16xf32> to vector<16xi32>
      %parallel_loop3A_54 = arith.subf %parallel_loop3A_52, %parallel_loop3A_48 : vector<16xf32>
      %parallel_loop3A_55 = vector.bitcast %parallel_loop3A_54 : vector<16xf32> to vector<16xi32>
      %parallel_loop3A_56 = arith.constant 16 : i32
      %parallel_loop3A_57 = vector.broadcast %parallel_loop3A_56 : i32 to vector<16xi32>
      %parallel_loop3A_58 = arith.shrsi %parallel_loop3A_53, %parallel_loop3A_57 : vector<16xi32>
      %parallel_loop3A_59 = arith.constant 1 : i32
      %parallel_loop3A_60 = vector.broadcast %parallel_loop3A_59 : i32 to vector<16xi32>
      %parallel_loop3A_61 = arith.andi %parallel_loop3A_58, %parallel_loop3A_60 : vector<16xi32>
      %parallel_loop3A_62 = arith.constant 32767 : i32
      %parallel_loop3A_63 = vector.broadcast %parallel_loop3A_62 : i32 to vector<16xi32>
      %parallel_loop3A_64 = arith.addi %parallel_loop3A_63, %parallel_loop3A_61 : vector<16xi32>
      %parallel_loop3A_65 = arith.addi %parallel_loop3A_53, %parallel_loop3A_64 : vector<16xi32>
      %parallel_loop3A_66 = arith.constant -65536 : i32
      %parallel_loop3A_67 = vector.broadcast %parallel_loop3A_66 : i32 to vector<16xi32>
      %parallel_loop3A_68 = arith.andi %parallel_loop3A_65, %parallel_loop3A_67 : vector<16xi32>
      %parallel_loop3A_69 = arith.constant 16 : i32
      %parallel_loop3A_70 = vector.broadcast %parallel_loop3A_69 : i32 to vector<16xi32>
      %parallel_loop3A_71 = arith.shrsi %parallel_loop3A_55, %parallel_loop3A_70 : vector<16xi32>
      %parallel_loop3A_72 = arith.constant 1 : i32
      %parallel_loop3A_73 = vector.broadcast %parallel_loop3A_72 : i32 to vector<16xi32>
      %parallel_loop3A_74 = arith.andi %parallel_loop3A_71, %parallel_loop3A_73 : vector<16xi32>
      %parallel_loop3A_75 = arith.constant 32767 : i32
      %parallel_loop3A_76 = vector.broadcast %parallel_loop3A_75 : i32 to vector<16xi32>
      %parallel_loop3A_77 = arith.addi %parallel_loop3A_76, %parallel_loop3A_74 : vector<16xi32>
      %parallel_loop3A_78 = arith.addi %parallel_loop3A_55, %parallel_loop3A_77 : vector<16xi32>
      %parallel_loop3A_79 = arith.constant 16 : i32
      %parallel_loop3A_80 = vector.broadcast %parallel_loop3A_79 : i32 to vector<16xi32>
      %parallel_loop3A_81 = arith.shrsi %parallel_loop3A_78, %parallel_loop3A_80 : vector<16xi32>
      %parallel_loop3A_82 = arith.constant 65535 : i32
      %parallel_loop3A_83 = vector.broadcast %parallel_loop3A_82 : i32 to vector<16xi32>
      %parallel_loop3A_84 = arith.andi %parallel_loop3A_81, %parallel_loop3A_83 : vector<16xi32>
      %parallel_loop3A_85 = arith.ori %parallel_loop3A_68, %parallel_loop3A_84 : vector<16xi32>
      %parallel_loop3A_86 = arith.index_cast %parallel_loop3A_46 : i32 to index
      %parallel_loop3A_87 = tpu.vector_load %arg6[%parallel_loop3A_86] {strides = array<i32>} : memref<16384xi32, #tpu.memory_space<vmem>>, vector<16xi32>,
      tpu.vector_store %arg6[%parallel_loop3A_86], %parallel_loop3A_85 {strides = array<i32>} : memref<16384xi32, #tpu.memory_space<vmem>>, vector<16xi32>,
    } {sc.loop_unroll_factor = 4 : i64, sc.parallel_access}
    %add3A_8 = arith.constant 0 : i32
    %add3A_9 = arith.addi %mul3A_2, %add3A_8 : i32
    %dma_start3A = arith.constant 0 : i32
    %dma_start3A_10 = arith.constant 0 : i32
    %dma_start3A_11 = tpu.memref_slice %arg7[%dma_start3A_10] : memref<32768xf32, #tpu.memory_space<vmem>> -> memref<16384xf32, #tpu.memory_space<vmem>>
    %dma_start3A_12 = tpu.memref_slice %arg2[%add3A_9] : memref<16777216xf32, #tpu.memory_space<hbm>> -> memref<16384xf32, #tpu.memory_space<hbm>>
    %dma_start3A_13 = tpu.memref_slice %arg9[%dma_start3A] : memref<2x!tpu.dma_semaphore, #tpu.memory_space<semaphore_mem>> -> memref<1x!tpu.dma_semaphore, #tpu.memory_space<semaphore_mem>>
    %dma_start3A_14 = tpu.memref_squeeze %dma_start3A_13 : memref<1x!tpu.dma_semaphore, #tpu.memory_space<semaphore_mem>> -> memref<!tpu.dma_semaphore, #tpu.memory_space<semaphore_mem>>
    %dma_start3A_15 = arith.constant 0 : i32
    %dma_start3A_16 = tpu.memref_slice %arg7[%dma_start3A_15] : memref<32768xf32, #tpu.memory_space<vmem>> -> memref<16384xf32, #tpu.memory_space<vmem>>
    %dma_start3A_17 = tpu.memref_slice %arg2[%add3A_9] : memref<16777216xf32, #tpu.memory_space<hbm>> -> memref<16384xf32, #tpu.memory_space<hbm>>
    tpu.enqueue_dma source(%dma_start3A_17 : memref<16384xf32, #tpu.memory_space<hbm>>) target(%dma_start3A_16 : memref<16384xf32, #tpu.memory_space<vmem>>) target_semaphore(%dma_start3A_14 : memref<!tpu.dma_semaphore, #tpu.memory_space<semaphore_mem>>)
    %scan3A = arith.constant 0 : i32
    %scan3A_18 = arith.constant 0 : i32
    %scan3A_19 = arith.constant 16 : i32
    %scan3A_20 = arith.addi %scan3A_18, %scan3A_19 : i32
    %scan3A_21 = arith.constant 1 : i32
    scf.for %scan3A_44 = %scan3A_18 to %scan3A_20 step %scan3A_21  : i32 {
      %mul3A_45 = arith.constant 2 : i32
      %mul3A_46 = arith.muli %scan3A_44, %mul3A_45 : i32
      %add3A_47 = arith.constant 0 : i32
      %add3A_48 = arith.addi %mul3A_46, %add3A_47 : i32
      %add3A_49 = arith.constant 1 : i32
      %add3A_50 = arith.addi %add3A_48, %add3A_49 : i32
      %lt3A = arith.constant 32 : i32
      %lt3A_51 = arith.cmpi slt, %add3A_50, %lt3A : i32
      %convert_element_type3A = arith.extui %lt3A_51 : i1 to i32
      %cond3A = arith.constant 0 : i32
      %cond3A_52 = arith.cmpi ne, %convert_element_type3A, %cond3A : i32
      scf.if %cond3A_52 {
        %add3A_127 = arith.constant 1 : i32
        %add3A_128 = arith.addi %add3A_48, %add3A_127 : i32
        %mul3A_129 = arith.constant 16384 : i32
        %mul3A_130 = arith.muli %add3A_128, %mul3A_129 : i32
        %add3A_131 = arith.addi %mul3A_2, %mul3A_130 : i32
        %dma_start3A_132 = arith.constant 1 : i32
        %dma_start3A_133 = arith.constant 16384 : i32
        %dma_start3A_134 = tpu.memref_slice %arg7[%dma_start3A_133] : memref<32768xf32, #tpu.memory_space<vmem>> -> memref<16384xf32, #tpu.memory_space<vmem>>
        %dma_start3A_135 = tpu.memref_slice %arg2[%add3A_131] : memref<16777216xf32, #tpu.memory_space<hbm>> -> memref<16384xf32, #tpu.memory_space<hbm>>
        %dma_start3A_136 = tpu.memref_slice %arg9[%dma_start3A_132] : memref<2x!tpu.dma_semaphore, #tpu.memory_space<semaphore_mem>> -> memref<1x!tpu.dma_semaphore, #tpu.memory_space<semaphore_mem>>
        %dma_start3A_137 = tpu.memref_squeeze %dma_start3A_136 : memref<1x!tpu.dma_semaphore, #tpu.memory_space<semaphore_mem>> -> memref<!tpu.dma_semaphore, #tpu.memory_space<semaphore_mem>>
        %dma_start3A_138 = arith.constant 16384 : i32
        %dma_start3A_139 = tpu.memref_slice %arg7[%dma_start3A_138] : memref<32768xf32, #tpu.memory_space<vmem>> -> memref<16384xf32, #tpu.memory_space<vmem>>
        %dma_start3A_140 = tpu.memref_slice %arg2[%add3A_131] : memref<16777216xf32, #tpu.memory_space<hbm>> -> memref<16384xf32, #tpu.memory_space<hbm>>
        tpu.enqueue_dma source(%dma_start3A_140 : memref<16384xf32, #tpu.memory_space<hbm>>) target(%dma_start3A_139 : memref<16384xf32, #tpu.memory_space<vmem>>) target_semaphore(%dma_start3A_137 : memref<!tpu.dma_semaphore, #tpu.memory_space<semaphore_mem>>)
      } else {
      }
      %mul3A_53 = arith.constant 16384 : i32
      %mul3A_54 = arith.muli %add3A_48, %mul3A_53 : i32
      %add3A_55 = arith.addi %mul3A_2, %mul3A_54 : i32
      %dma_wait3A_56 = arith.constant 0 : i32
      %dma_wait3A_57 = arith.constant 0 : i32
      %dma_wait3A_58 = tpu.memref_slice %arg7[%dma_wait3A_57] : memref<32768xf32, #tpu.memory_space<vmem>> -> memref<16384xf32, #tpu.memory_space<vmem>>
      %dma_wait3A_59 = tpu.memref_slice %arg2[%add3A_55] : memref<16777216xf32, #tpu.memory_space<hbm>> -> memref<16384xf32, #tpu.memory_space<hbm>>
      %dma_wait3A_60 = tpu.memref_slice %arg9[%dma_wait3A_56] : memref<2x!tpu.dma_semaphore, #tpu.memory_space<semaphore_mem>> -> memref<1x!tpu.dma_semaphore, #tpu.memory_space<semaphore_mem>>
      %dma_wait3A_61 = tpu.memref_squeeze %dma_wait3A_60 : memref<1x!tpu.dma_semaphore, #tpu.memory_space<semaphore_mem>> -> memref<!tpu.dma_semaphore, #tpu.memory_space<semaphore_mem>>
      %dma_wait3A_62 = arith.constant 0 : i32
      %dma_wait3A_63 = tpu.memref_slice %arg7[%dma_wait3A_62] : memref<32768xf32, #tpu.memory_space<vmem>> -> memref<16384xf32, #tpu.memory_space<vmem>>
      %dma_wait3A_64 = tpu.memref_slice %arg2[%add3A_55] : memref<16777216xf32, #tpu.memory_space<hbm>> -> memref<16384xf32, #tpu.memory_space<hbm>>
      tpu.wait_dma2 semaphore(%dma_wait3A_61 : memref<!tpu.dma_semaphore, #tpu.memory_space<semaphore_mem>>) src(%dma_wait3A_64 : memref<16384xf32, #tpu.memory_space<hbm>>) dst(%dma_wait3A_63 : memref<16384xf32, #tpu.memory_space<vmem>>)
      %ge3A = arith.constant 2 : i32
      %ge3A_65 = arith.cmpi sge, %add3A_48, %ge3A : i32
      %convert_element_type3A_66 = arith.extui %ge3A_65 : i1 to i32
      %cond3A_67 = arith.constant 0 : i32
      %cond3A_68 = arith.cmpi ne, %convert_element_type3A_66, %cond3A_67 : i32
      scf.if %cond3A_68 {
        %sub3A = arith.constant 2 : i32
        %sub3A_127 = arith.subi %add3A_48, %sub3A : i32
        %mul3A_128 = arith.constant 16384 : i32
        %mul3A_129 = arith.muli %sub3A_127, %mul3A_128 : i32
        %add3A_130 = arith.addi %mul3A_2, %mul3A_129 : i32
        %dma_wait3A_131 = arith.constant 0 : i32
        %dma_wait3A_132 = arith.constant 0 : i32
        %dma_wait3A_133 = tpu.memref_slice %arg8[%dma_wait3A_132] : memref<32768xf32, #tpu.memory_space<vmem>> -> memref<16384xf32, #tpu.memory_space<vmem>>
        %dma_wait3A_134 = tpu.memref_slice %arg4[%add3A_130] : memref<16777216xf32, #tpu.memory_space<hbm>> -> memref<16384xf32, #tpu.memory_space<hbm>>
        %dma_wait3A_135 = tpu.memref_slice %arg10[%dma_wait3A_131] : memref<2x!tpu.dma_semaphore, #tpu.memory_space<semaphore_mem>> -> memref<1x!tpu.dma_semaphore, #tpu.memory_space<semaphore_mem>>
        %dma_wait3A_136 = tpu.memref_squeeze %dma_wait3A_135 : memref<1x!tpu.dma_semaphore, #tpu.memory_space<semaphore_mem>> -> memref<!tpu.dma_semaphore, #tpu.memory_space<semaphore_mem>>
        %dma_wait3A_137 = tpu.memref_slice %arg4[%add3A_130] : memref<16777216xf32, #tpu.memory_space<hbm>> -> memref<16384xf32, #tpu.memory_space<hbm>>
        %dma_wait3A_138 = arith.constant 0 : i32
        %dma_wait3A_139 = tpu.memref_slice %arg8[%dma_wait3A_138] : memref<32768xf32, #tpu.memory_space<vmem>> -> memref<16384xf32, #tpu.memory_space<vmem>>
        tpu.wait_dma2 semaphore(%dma_wait3A_136 : memref<!tpu.dma_semaphore, #tpu.memory_space<semaphore_mem>>) src(%dma_wait3A_139 : memref<16384xf32, #tpu.memory_space<vmem>>) dst(%dma_wait3A_137 : memref<16384xf32, #tpu.memory_space<hbm>>)
      } else {
      }
      %parallel_loop3A_69 = arith.constant 0 : i32
      %parallel_loop3A_70 = arith.constant 1024 : i32
      %parallel_loop3A_71 = arith.constant 1 : i32
      scf.for %parallel_loop3A_127 = %parallel_loop3A_69 to %parallel_loop3A_70 step %parallel_loop3A_71  : i32 {
        %parallel_loop3A_128 = arith.constant 16 : i32
        %parallel_loop3A_129 = arith.muli %parallel_loop3A_127, %parallel_loop3A_128 : i32
        %parallel_loop3A_130 = arith.constant 0 : i32
        %parallel_loop3A_131 = arith.addi %parallel_loop3A_130, %parallel_loop3A_129 : i32
        %parallel_loop3A_132 = arith.constant 63 : i32
        %parallel_loop3A_133 = arith.andi %parallel_loop3A_127, %parallel_loop3A_132 : i32
        %parallel_loop3A_134 = arith.constant 256 : i32
        %parallel_loop3A_135 = arith.muli %parallel_loop3A_133, %parallel_loop3A_134 : i32
        %parallel_loop3A_136 = arith.index_cast %parallel_loop3A_131 : i32 to index
        %parallel_loop3A_137 = tpu.vector_load %arg7[%parallel_loop3A_136] {strides = array<i32>} : memref<32768xf32, #tpu.memory_space<vmem>>, vector<16xf32>,
        %parallel_loop3A_138 = arith.constant 2.500000e+00 : f32
        %parallel_loop3A_139 = vector.broadcast %parallel_loop3A_138 : f32 to vector<16xf32>
        %parallel_loop3A_140 = arith.mulf %parallel_loop3A_137, %parallel_loop3A_139 : vector<16xf32>
        %parallel_loop3A_141 = arith.constant 7.500000e+00 : f32
        %parallel_loop3A_142 = vector.broadcast %parallel_loop3A_141 : f32 to vector<16xf32>
        %parallel_loop3A_143 = arith.addf %parallel_loop3A_140, %parallel_loop3A_142 : vector<16xf32>
        %parallel_loop3A_144 = arith.constant 0.000000e+00 : f32
        %parallel_loop3A_145 = vector.broadcast %parallel_loop3A_144 : f32 to vector<16xf32>
        %parallel_loop3A_146 = arith.maximumf %parallel_loop3A_143, %parallel_loop3A_145 : vector<16xf32>
        %parallel_loop3A_147 = arith.constant 14.999999 : f32
        %parallel_loop3A_148 = vector.broadcast %parallel_loop3A_147 : f32 to vector<16xf32>
        %parallel_loop3A_149 = arith.minimumf %parallel_loop3A_146, %parallel_loop3A_148 : vector<16xf32>
        %parallel_loop3A_150 = arith.fptosi %parallel_loop3A_149 : vector<16xf32> to vector<16xi32>
        %parallel_loop3A_151 = arith.sitofp %parallel_loop3A_150 : vector<16xi32> to vector<16xf32>
        %parallel_loop3A_152 = arith.subf %parallel_loop3A_149, %parallel_loop3A_151 : vector<16xf32>
        %parallel_loop3A_153 = arith.addi %parallel_loop3A_150, %mul3A_5 : vector<16xi32>
        %parallel_loop3A_154 = tpu.memref_slice %arg6[%parallel_loop3A_135] : memref<16384xi32, #tpu.memory_space<vmem>> -> memref<256xi32, #tpu.memory_space<vmem>>
        %parallel_loop3A_155 = tpu.vector_load_idx %parallel_loop3A_154[%parallel_loop3A_153] : memref<256xi32, #tpu.memory_space<vmem>>[vector<16xi32>], vector<16xi32>,
        %parallel_loop3A_156 = vector.bitcast %parallel_loop3A_155 : vector<16xi32> to vector<16xf32>
        %parallel_loop3A_157 = arith.constant 16 : i32
        %parallel_loop3A_158 = vector.broadcast %parallel_loop3A_157 : i32 to vector<16xi32>
        %parallel_loop3A_159 = arith.shli %parallel_loop3A_155, %parallel_loop3A_158 : vector<16xi32>
        %parallel_loop3A_160 = vector.bitcast %parallel_loop3A_159 : vector<16xi32> to vector<16xf32>
        %parallel_loop3A_161 = arith.mulf %parallel_loop3A_152, %parallel_loop3A_160 : vector<16xf32>
        %parallel_loop3A_162 = arith.addf %parallel_loop3A_156, %parallel_loop3A_161 : vector<16xf32>
        %parallel_loop3A_163 = arith.index_cast %parallel_loop3A_131 : i32 to index
        %parallel_loop3A_164 = tpu.vector_load %arg8[%parallel_loop3A_163] {strides = array<i32>} : memref<32768xf32, #tpu.memory_space<vmem>>, vector<16xf32>,
        tpu.vector_store %arg8[%parallel_loop3A_163], %parallel_loop3A_162 {strides = array<i32>} : memref<32768xf32, #tpu.memory_space<vmem>>, vector<16xf32>,
      } {sc.loop_unroll_factor = 8 : i64, sc.parallel_access}
      %mul3A_72 = arith.constant 16384 : i32
      %mul3A_73 = arith.muli %add3A_48, %mul3A_72 : i32
      %add3A_74 = arith.addi %mul3A_2, %mul3A_73 : i32
      %dma_start3A_75 = arith.constant 0 : i32
      %dma_start3A_76 = arith.constant 0 : i32
      %dma_start3A_77 = tpu.memref_slice %arg8[%dma_start3A_76] : memref<32768xf32, #tpu.memory_space<vmem>> -> memref<16384xf32, #tpu.memory_space<vmem>>
      %dma_start3A_78 = tpu.memref_slice %arg4[%add3A_74] : memref<16777216xf32, #tpu.memory_space<hbm>> -> memref<16384xf32, #tpu.memory_space<hbm>>
      %dma_start3A_79 = tpu.memref_slice %arg10[%dma_start3A_75] : memref<2x!tpu.dma_semaphore, #tpu.memory_space<semaphore_mem>> -> memref<1x!tpu.dma_semaphore, #tpu.memory_space<semaphore_mem>>
      %dma_start3A_80 = tpu.memref_squeeze %dma_start3A_79 : memref<1x!tpu.dma_semaphore, #tpu.memory_space<semaphore_mem>> -> memref<!tpu.dma_semaphore, #tpu.memory_space<semaphore_mem>>
      %dma_start3A_81 = tpu.memref_slice %arg4[%add3A_74] : memref<16777216xf32, #tpu.memory_space<hbm>> -> memref<16384xf32, #tpu.memory_space<hbm>>
      %dma_start3A_82 = arith.constant 0 : i32
      %dma_start3A_83 = tpu.memref_slice %arg8[%dma_start3A_82] : memref<32768xf32, #tpu.memory_space<vmem>> -> memref<16384xf32, #tpu.memory_space<vmem>>
      tpu.enqueue_dma source(%dma_start3A_83 : memref<16384xf32, #tpu.memory_space<vmem>>) target(%dma_start3A_81 : memref<16384xf32, #tpu.memory_space<hbm>>) target_semaphore(%dma_start3A_80 : memref<!tpu.dma_semaphore, #tpu.memory_space<semaphore_mem>>)
      %mul3A_84 = arith.constant 2 : i32
      %mul3A_85 = arith.muli %scan3A_44, %mul3A_84 : i32
      %add3A_86 = arith.constant 1 : i32
      %add3A_87 = arith.addi %mul3A_85, %add3A_86 : i32
      %add3A_88 = arith.constant 1 : i32
      %add3A_89 = arith.addi %add3A_87, %add3A_88 : i32
      %lt3A_90 = arith.constant 32 : i32
      %lt3A_91 = arith.cmpi slt, %add3A_89, %lt3A_90 : i32
      %convert_element_type3A_92 = arith.extui %lt3A_91 : i1 to i32
      %cond3A_93 = arith.constant 0 : i32
      %cond3A_94 = arith.cmpi ne, %convert_element_type3A_92, %cond3A_93 : i32
      scf.if %cond3A_94 {
        %add3A_127 = arith.constant 1 : i32
        %add3A_128 = arith.addi %add3A_87, %add3A_127 : i32
        %mul3A_129 = arith.constant 16384 : i32
        %mul3A_130 = arith.muli %add3A_128, %mul3A_129 : i32
        %add3A_131 = arith.addi %mul3A_2, %mul3A_130 : i32
        %dma_start3A_132 = arith.constant 0 : i32
        %dma_start3A_133 = arith.constant 0 : i32
        %dma_start3A_134 = tpu.memref_slice %arg7[%dma_start3A_133] : memref<32768xf32, #tpu.memory_space<vmem>> -> memref<16384xf32, #tpu.memory_space<vmem>>
        %dma_start3A_135 = tpu.memref_slice %arg2[%add3A_131] : memref<16777216xf32, #tpu.memory_space<hbm>> -> memref<16384xf32, #tpu.memory_space<hbm>>
        %dma_start3A_136 = tpu.memref_slice %arg9[%dma_start3A_132] : memref<2x!tpu.dma_semaphore, #tpu.memory_space<semaphore_mem>> -> memref<1x!tpu.dma_semaphore, #tpu.memory_space<semaphore_mem>>
        %dma_start3A_137 = tpu.memref_squeeze %dma_start3A_136 : memref<1x!tpu.dma_semaphore, #tpu.memory_space<semaphore_mem>> -> memref<!tpu.dma_semaphore, #tpu.memory_space<semaphore_mem>>
        %dma_start3A_138 = arith.constant 0 : i32
        %dma_start3A_139 = tpu.memref_slice %arg7[%dma_start3A_138] : memref<32768xf32, #tpu.memory_space<vmem>> -> memref<16384xf32, #tpu.memory_space<vmem>>
        %dma_start3A_140 = tpu.memref_slice %arg2[%add3A_131] : memref<16777216xf32, #tpu.memory_space<hbm>> -> memref<16384xf32, #tpu.memory_space<hbm>>
        tpu.enqueue_dma source(%dma_start3A_140 : memref<16384xf32, #tpu.memory_space<hbm>>) target(%dma_start3A_139 : memref<16384xf32, #tpu.memory_space<vmem>>) target_semaphore(%dma_start3A_137 : memref<!tpu.dma_semaphore, #tpu.memory_space<semaphore_mem>>)
      } else {
      }
      %mul3A_95 = arith.constant 16384 : i32
      %mul3A_96 = arith.muli %add3A_87, %mul3A_95 : i32
      %add3A_97 = arith.addi %mul3A_2, %mul3A_96 : i32
      %dma_wait3A_98 = arith.constant 1 : i32
      %dma_wait3A_99 = arith.constant 16384 : i32
      %dma_wait3A_100 = tpu.memref_slice %arg7[%dma_wait3A_99] : memref<32768xf32, #tpu.memory_space<vmem>> -> memref<16384xf32, #tpu.memory_space<vmem>>
      %dma_wait3A_101 = tpu.memref_slice %arg2[%add3A_97] : memref<16777216xf32, #tpu.memory_space<hbm>> -> memref<16384xf32, #tpu.memory_space<hbm>>
      %dma_wait3A_102 = tpu.memref_slice %arg9[%dma_wait3A_98] : memref<2x!tpu.dma_semaphore, #tpu.memory_space<semaphore_mem>> -> memref<1x!tpu.dma_semaphore, #tpu.memory_space<semaphore_mem>>
      %dma_wait3A_103 = tpu.memref_squeeze %dma_wait3A_102 : memref<1x!tpu.dma_semaphore, #tpu.memory_space<semaphore_mem>> -> memref<!tpu.dma_semaphore, #tpu.memory_space<semaphore_mem>>
      %dma_wait3A_104 = arith.constant 16384 : i32
      %dma_wait3A_105 = tpu.memref_slice %arg7[%dma_wait3A_104] : memref<32768xf32, #tpu.memory_space<vmem>> -> memref<16384xf32, #tpu.memory_space<vmem>>
      %dma_wait3A_106 = tpu.memref_slice %arg2[%add3A_97] : memref<16777216xf32, #tpu.memory_space<hbm>> -> memref<16384xf32, #tpu.memory_space<hbm>>
      tpu.wait_dma2 semaphore(%dma_wait3A_103 : memref<!tpu.dma_semaphore, #tpu.memory_space<semaphore_mem>>) src(%dma_wait3A_106 : memref<16384xf32, #tpu.memory_space<hbm>>) dst(%dma_wait3A_105 : memref<16384xf32, #tpu.memory_space<vmem>>)
      %ge3A_107 = arith.constant 2 : i32
      %ge3A_108 = arith.cmpi sge, %add3A_87, %ge3A_107 : i32
      %convert_element_type3A_109 = arith.extui %ge3A_108 : i1 to i32
      %cond3A_110 = arith.constant 0 : i32
      %cond3A_111 = arith.cmpi ne, %convert_element_type3A_109, %cond3A_110 : i32
      scf.if %cond3A_111 {
        %sub3A = arith.constant 2 : i32
        %sub3A_127 = arith.subi %add3A_87, %sub3A : i32
        %mul3A_128 = arith.constant 16384 : i32
        %mul3A_129 = arith.muli %sub3A_127, %mul3A_128 : i32
        %add3A_130 = arith.addi %mul3A_2, %mul3A_129 : i32
        %dma_wait3A_131 = arith.constant 1 : i32
        %dma_wait3A_132 = arith.constant 16384 : i32
        %dma_wait3A_133 = tpu.memref_slice %arg8[%dma_wait3A_132] : memref<32768xf32, #tpu.memory_space<vmem>> -> memref<16384xf32, #tpu.memory_space<vmem>>
        %dma_wait3A_134 = tpu.memref_slice %arg4[%add3A_130] : memref<16777216xf32, #tpu.memory_space<hbm>> -> memref<16384xf32, #tpu.memory_space<hbm>>
        %dma_wait3A_135 = tpu.memref_slice %arg10[%dma_wait3A_131] : memref<2x!tpu.dma_semaphore, #tpu.memory_space<semaphore_mem>> -> memref<1x!tpu.dma_semaphore, #tpu.memory_space<semaphore_mem>>
        %dma_wait3A_136 = tpu.memref_squeeze %dma_wait3A_135 : memref<1x!tpu.dma_semaphore, #tpu.memory_space<semaphore_mem>> -> memref<!tpu.dma_semaphore, #tpu.memory_space<semaphore_mem>>
        %dma_wait3A_137 = tpu.memref_slice %arg4[%add3A_130] : memref<16777216xf32, #tpu.memory_space<hbm>> -> memref<16384xf32, #tpu.memory_space<hbm>>
        %dma_wait3A_138 = arith.constant 16384 : i32
        %dma_wait3A_139 = tpu.memref_slice %arg8[%dma_wait3A_138] : memref<32768xf32, #tpu.memory_space<vmem>> -> memref<16384xf32, #tpu.memory_space<vmem>>
        tpu.wait_dma2 semaphore(%dma_wait3A_136 : memref<!tpu.dma_semaphore, #tpu.memory_space<semaphore_mem>>) src(%dma_wait3A_139 : memref<16384xf32, #tpu.memory_space<vmem>>) dst(%dma_wait3A_137 : memref<16384xf32, #tpu.memory_space<hbm>>)
      } else {
      }
      %parallel_loop3A_112 = arith.constant 0 : i32
      %parallel_loop3A_113 = arith.constant 1024 : i32
      %parallel_loop3A_114 = arith.constant 1 : i32
      scf.for %parallel_loop3A_127 = %parallel_loop3A_112 to %parallel_loop3A_113 step %parallel_loop3A_114  : i32 {
        %parallel_loop3A_128 = arith.constant 16 : i32
        %parallel_loop3A_129 = arith.muli %parallel_loop3A_127, %parallel_loop3A_128 : i32
        %parallel_loop3A_130 = arith.constant 16384 : i32
        %parallel_loop3A_131 = arith.addi %parallel_loop3A_130, %parallel_loop3A_129 : i32
        %parallel_loop3A_132 = arith.constant 63 : i32
        %parallel_loop3A_133 = arith.andi %parallel_loop3A_127, %parallel_loop3A_132 : i32
        %parallel_loop3A_134 = arith.constant 256 : i32
        %parallel_loop3A_135 = arith.muli %parallel_loop3A_133, %parallel_loop3A_134 : i32
        %parallel_loop3A_136 = arith.index_cast %parallel_loop3A_131 : i32 to index
        %parallel_loop3A_137 = tpu.vector_load %arg7[%parallel_loop3A_136] {strides = array<i32>} : memref<32768xf32, #tpu.memory_space<vmem>>, vector<16xf32>,
        %parallel_loop3A_138 = arith.constant 2.500000e+00 : f32
        %parallel_loop3A_139 = vector.broadcast %parallel_loop3A_138 : f32 to vector<16xf32>
        %parallel_loop3A_140 = arith.mulf %parallel_loop3A_137, %parallel_loop3A_139 : vector<16xf32>
        %parallel_loop3A_141 = arith.constant 7.500000e+00 : f32
        %parallel_loop3A_142 = vector.broadcast %parallel_loop3A_141 : f32 to vector<16xf32>
        %parallel_loop3A_143 = arith.addf %parallel_loop3A_140, %parallel_loop3A_142 : vector<16xf32>
        %parallel_loop3A_144 = arith.constant 0.000000e+00 : f32
        %parallel_loop3A_145 = vector.broadcast %parallel_loop3A_144 : f32 to vector<16xf32>
        %parallel_loop3A_146 = arith.maximumf %parallel_loop3A_143, %parallel_loop3A_145 : vector<16xf32>
        %parallel_loop3A_147 = arith.constant 14.999999 : f32
        %parallel_loop3A_148 = vector.broadcast %parallel_loop3A_147 : f32 to vector<16xf32>
        %parallel_loop3A_149 = arith.minimumf %parallel_loop3A_146, %parallel_loop3A_148 : vector<16xf32>
        %parallel_loop3A_150 = arith.fptosi %parallel_loop3A_149 : vector<16xf32> to vector<16xi32>
        %parallel_loop3A_151 = arith.sitofp %parallel_loop3A_150 : vector<16xi32> to vector<16xf32>
        %parallel_loop3A_152 = arith.subf %parallel_loop3A_149, %parallel_loop3A_151 : vector<16xf32>
        %parallel_loop3A_153 = arith.addi %parallel_loop3A_150, %mul3A_5 : vector<16xi32>
        %parallel_loop3A_154 = tpu.memref_slice %arg6[%parallel_loop3A_135] : memref<16384xi32, #tpu.memory_space<vmem>> -> memref<256xi32, #tpu.memory_space<vmem>>
        %parallel_loop3A_155 = tpu.vector_load_idx %parallel_loop3A_154[%parallel_loop3A_153] : memref<256xi32, #tpu.memory_space<vmem>>[vector<16xi32>], vector<16xi32>,
        %parallel_loop3A_156 = vector.bitcast %parallel_loop3A_155 : vector<16xi32> to vector<16xf32>
        %parallel_loop3A_157 = arith.constant 16 : i32
        %parallel_loop3A_158 = vector.broadcast %parallel_loop3A_157 : i32 to vector<16xi32>
        %parallel_loop3A_159 = arith.shli %parallel_loop3A_155, %parallel_loop3A_158 : vector<16xi32>
        %parallel_loop3A_160 = vector.bitcast %parallel_loop3A_159 : vector<16xi32> to vector<16xf32>
        %parallel_loop3A_161 = arith.mulf %parallel_loop3A_152, %parallel_loop3A_160 : vector<16xf32>
        %parallel_loop3A_162 = arith.addf %parallel_loop3A_156, %parallel_loop3A_161 : vector<16xf32>
        %parallel_loop3A_163 = arith.index_cast %parallel_loop3A_131 : i32 to index
        %parallel_loop3A_164 = tpu.vector_load %arg8[%parallel_loop3A_163] {strides = array<i32>} : memref<32768xf32, #tpu.memory_space<vmem>>, vector<16xf32>,
        tpu.vector_store %arg8[%parallel_loop3A_163], %parallel_loop3A_162 {strides = array<i32>} : memref<32768xf32, #tpu.memory_space<vmem>>, vector<16xf32>,
      } {sc.loop_unroll_factor = 8 : i64, sc.parallel_access}
      %mul3A_115 = arith.constant 16384 : i32
      %mul3A_116 = arith.muli %add3A_87, %mul3A_115 : i32
      %add3A_117 = arith.addi %mul3A_2, %mul3A_116 : i32
      %dma_start3A_118 = arith.constant 1 : i32
      %dma_start3A_119 = arith.constant 16384 : i32
      %dma_start3A_120 = tpu.memref_slice %arg8[%dma_start3A_119] : memref<32768xf32, #tpu.memory_space<vmem>> -> memref<16384xf32, #tpu.memory_space<vmem>>
      %dma_start3A_121 = tpu.memref_slice %arg4[%add3A_117] : memref<16777216xf32, #tpu.memory_space<hbm>> -> memref<16384xf32, #tpu.memory_space<hbm>>
      %dma_start3A_122 = tpu.memref_slice %arg10[%dma_start3A_118] : memref<2x!tpu.dma_semaphore, #tpu.memory_space<semaphore_mem>> -> memref<1x!tpu.dma_semaphore, #tpu.memory_space<semaphore_mem>>
      %dma_start3A_123 = tpu.memref_squeeze %dma_start3A_122 : memref<1x!tpu.dma_semaphore, #tpu.memory_space<semaphore_mem>> -> memref<!tpu.dma_semaphore, #tpu.memory_space<semaphore_mem>>
      %dma_start3A_124 = tpu.memref_slice %arg4[%add3A_117] : memref<16777216xf32, #tpu.memory_space<hbm>> -> memref<16384xf32, #tpu.memory_space<hbm>>
      %dma_start3A_125 = arith.constant 16384 : i32
      %dma_start3A_126 = tpu.memref_slice %arg8[%dma_start3A_125] : memref<32768xf32, #tpu.memory_space<vmem>> -> memref<16384xf32, #tpu.memory_space<vmem>>
      tpu.enqueue_dma source(%dma_start3A_126 : memref<16384xf32, #tpu.memory_space<vmem>>) target(%dma_start3A_124 : memref<16384xf32, #tpu.memory_space<hbm>>) target_semaphore(%dma_start3A_123 : memref<!tpu.dma_semaphore, #tpu.memory_space<semaphore_mem>>)
    }
    %scan3A_22 = arith.constant 16 : i32
    %add3A_23 = arith.constant 491520 : i32
    %add3A_24 = arith.addi %mul3A_2, %add3A_23 : i32
    %dma_wait3A = arith.constant 0 : i32
    %dma_wait3A_25 = arith.constant 0 : i32
    %dma_wait3A_26 = tpu.memref_slice %arg8[%dma_wait3A_25] : memref<32768xf32, #tpu.memory_space<vmem>> -> memref<16384xf32, #tpu.memory_space<vmem>>
    %dma_wait3A_27 = tpu.memref_slice %arg4[%add3A_24] : memref<16777216xf32, #tpu.memory_space<hbm>> -> memref<16384xf32, #tpu.memory_space<hbm>>
    %dma_wait3A_28 = tpu.memref_slice %arg10[%dma_wait3A] : memref<2x!tpu.dma_semaphore, #tpu.memory_space<semaphore_mem>> -> memref<1x!tpu.dma_semaphore, #tpu.memory_space<semaphore_mem>>
    %dma_wait3A_29 = tpu.memref_squeeze %dma_wait3A_28 : memref<1x!tpu.dma_semaphore, #tpu.memory_space<semaphore_mem>> -> memref<!tpu.dma_semaphore, #tpu.memory_space<semaphore_mem>>
    %dma_wait3A_30 = tpu.memref_slice %arg4[%add3A_24] : memref<16777216xf32, #tpu.memory_space<hbm>> -> memref<16384xf32, #tpu.memory_space<hbm>>
    %dma_wait3A_31 = arith.constant 0 : i32
    %dma_wait3A_32 = tpu.memref_slice %arg8[%dma_wait3A_31] : memref<32768xf32, #tpu.memory_space<vmem>> -> memref<16384xf32, #tpu.memory_space<vmem>>
    tpu.wait_dma2 semaphore(%dma_wait3A_29 : memref<!tpu.dma_semaphore, #tpu.memory_space<semaphore_mem>>) src(%dma_wait3A_32 : memref<16384xf32, #tpu.memory_space<vmem>>) dst(%dma_wait3A_30 : memref<16384xf32, #tpu.memory_space<hbm>>)
    %add3A_33 = arith.constant 507904 : i32
    %add3A_34 = arith.addi %mul3A_2, %add3A_33 : i32
    %dma_wait3A_35 = arith.constant 1 : i32
    %dma_wait3A_36 = arith.constant 16384 : i32
    %dma_wait3A_37 = tpu.memref_slice %arg8[%dma_wait3A_36] : memref<32768xf32, #tpu.memory_space<vmem>> -> memref<16384xf32, #tpu.memory_space<vmem>>
    %dma_wait3A_38 = tpu.memref_slice %arg4[%add3A_34] : memref<16777216xf32, #tpu.memory_space<hbm>> -> memref<16384xf32, #tpu.memory_space<hbm>>
    %dma_wait3A_39 = tpu.memref_slice %arg10[%dma_wait3A_35] : memref<2x!tpu.dma_semaphore, #tpu.memory_space<semaphore_mem>> -> memref<1x!tpu.dma_semaphore, #tpu.memory_space<semaphore_mem>>
    %dma_wait3A_40 = tpu.memref_squeeze %dma_wait3A_39 : memref<1x!tpu.dma_semaphore, #tpu.memory_space<semaphore_mem>> -> memref<!tpu.dma_semaphore, #tpu.memory_space<semaphore_mem>>
    %dma_wait3A_41 = tpu.memref_slice %arg4[%add3A_34] : memref<16777216xf32, #tpu.memory_space<hbm>> -> memref<16384xf32, #tpu.memory_space<hbm>>
    %dma_wait3A_42 = arith.constant 16384 : i32
    %dma_wait3A_43 = tpu.memref_slice %arg8[%dma_wait3A_42] : memref<32768xf32, #tpu.memory_space<vmem>> -> memref<16384xf32, #tpu.memory_space<vmem>>
    tpu.wait_dma2 semaphore(%dma_wait3A_40 : memref<!tpu.dma_semaphore, #tpu.memory_space<semaphore_mem>>) src(%dma_wait3A_43 : memref<16384xf32, #tpu.memory_space<vmem>>) dst(%dma_wait3A_41 : memref<16384xf32, #tpu.memory_space<hbm>>)
    return
  }
}

</mosaic_0001>

<sc_bundles>
// kernel: kernel.3.cloned.1.call-start
scs
__scs_entry_jumppad:
0x0: {  	(pc) =	sbr.rel $0x88, $3  }
0x1: {  	(tag) =	ssettag $0x0;
	lr =	simm.s32 $0x1  }
0x2: {  	[smem:$0x3F9F] =	sst lr;
	_ =	strace $0xD0000000  }
0x3: {  	_ = 	snop  }
0x4: {  	_ = 	snop  }
0x5: {  	_ = 	snop  }
0x6: {  	_ = 	snop  }
0x7: {  	_ = 	snop  }
__scs_overlays_trampoline_lowered:
0x8: {  	[smem:$0x3FAE] =	sst s0  }
0x9: {  	[smem:$0x3FAF] =	sst s1  }
0xa: {  	[smem:$0x3FB0] =	sst s2  }
0xb: {  	[smem:$0x3FB1] =	sst s3  }
0xc: {  	[smem:$0x3FB2] =	sst s4  }
0xd: {  	[smem:$0x3FB3] =	sst s5  }
0xe: {  	[smem:$0x3FB4] =	sst s6  }
0xf: {  	[smem:$0x3FB5] =	sst s7  }
0x10: {  	[smem:$0x3FB6] =	sst s8  }
0x11: {  	[smem:$0x3FB7] =	sst s9;
	s0 =	simm.s32 @!p0 $0x0  }
0x12: {  	s1 =	sld [smem:$0x3F9D];
	s0 =	simm.s32 @p0 $0x1  }
0x13: {  	[smem:$0x3FB8] =	sst s0;
	s0 =	simm.s32 @!p1 $0x0  }
0x14: {  	s2 =	sld [smem:$0x3F9C];
	s0 =	simm.s32 @p1 $0x1  }
0x15: {  	[smem:$0x3FB9] =	sst s0;
	s0 =	simm.s32 @!p2 $0x0  }
0x16: {  	s3 =	sld [smem:$0x3FDB];
	s0 =	simm.s32 @p2 $0x1  }
0x17: {  	s4 =	simm.s32 $0x1BF5;
	[smem:$0x3FBB] =	sst s0  }
0x18: {  	s0 =	sld [smem:$0x3F9E];
	_ =	swait.ge [sflag:s4], $0x0  }
0x19: {  	s7 =	sld [smem:$0x3F9F]  }
0x1a: {  	s8 =	sadd.s32 $0xFFFFE003, lr  }
0x1b: {  	s9 =	sadd.s32 $0xFFFFFEF7, lr;
	s5 =	simm.s32 $0xFFFFFFFF;
	p2 =	slt.u32 s8, $0xFFFFF086  }
0x1c: {  	p1 =	slt.u32 s9, $0xF7A;
	s5 =	simm.s32 @!p2 $0x0  }
0x1d: {  	s5 =	simm.s32 @p1 $0x1;
	p0 =	seq.s32 s7, s2  }
0x1e: {  	s7 =	smul.u32 @!p0 $0xF7A, s2;
	p2 =	seq.s32 @!p0 s5, $0x0  }
0x1f: {  	s9 =	smul.u32 $0xF7A, s1;
	s8 =	simm.s32 @!p0 $0x1BF5;
	p2 =	por !p2, p0  }
0x20: {  	[sflag:s8] =	ssyncset.s32 @!p0 $0xFFFFF086;
	s6 =	sadd.s32 @!p0 s3, s7;
	s7 =	simm.s32 @!p0 $0x108  }
0x21: {  	s3 =	sadd.s32 s3, s9;
	s6 =	sadd.s32 @!p0 $0x88, s6;
	s7 =	simm.s32 @p2 $0x1082  }
0x22: {  	[simem:s7], [sflag:s8] =	dma.local @!p0 [hbm:s6], $0xF7A  }
0x23: {  	s9 =	sor.u32 $0xD0000000, s2;
	s6 =	simm.s32 $0x108;
	_ =	swait.ge @!p0 [sflag:s8], $0x0  }
0x24: {  	s3 =	sadd.s32 $0x88, s3;
	s6 =	simm.s32 @!p1 $0x1082;
	[sflag:s4] =	ssyncset.s32 $0xFFFFF086  }
0x25: {  	[simem:s6], [sflag:s4] =	dma.local [hbm:s3], $0xF7A  }
0x26: {  	[smem:$0x3F9F] =	sst s1;
	(tag) =	ssettag s2;
	_ =	strace s9  }
0x27: {  	s1 =	sld [smem:$0x3FAF]  }
0x28: {  	s2 =	sld [smem:$0x3FB0]  }
0x29: {  	s4 =	sld [smem:$0x3FB2]  }
0x2a: {  	p0 =	seq.s32 s5, $0x0;
	s5 =	sld [smem:$0x3FB3]  }
0x2b: {  	s6 =	sld [smem:$0x3FB4]  }
0x2c: {  	s7 =	sld [smem:$0x3FB5]  }
0x2d: {  	s3 =	simm.s32 $0x108;
	s8 =	sld [smem:$0x3FB6]  }
0x2e: {  	s3 =	simm.s32 @!p0 $0x1082;
	s9 =	sld [smem:$0x3FB7]  }
0x2f: {  	lr =	sadd.s32 s0, s3;
	s0 =	sld [smem:$0x3FAE]  }
0x30: {  	s3 =	sld [smem:$0x3FB1]  }
0x31: {  	[smem:$0x3FBA] =	sst s10  }
0x32: {  	s10 =	sld [smem:$0x3FB8];
	_ =	sdelay $0x3  }
0x33: {  	p0 =	seq.s32 s10, $0x1;
	s10 =	sld [smem:$0x3FBA];
	_ =	sdelay $0x3  }
0x34: {  	[smem:$0x3FBA] =	sst s10  }
0x35: {  	s10 =	sld [smem:$0x3FB9];
	_ =	sdelay $0x3  }
0x36: {  	p1 =	seq.s32 s10, $0x1;
	s10 =	sld [smem:$0x3FBA];
	_ =	sdelay $0x3  }
0x37: {  	[smem:$0x3FBA] =	sst s10  }
0x38: {  	s10 =	sld [smem:$0x3FBB]  }
0x39: {  	_ = 	snop;
	(pc) =	sbr.ind lr, $3  }
0x3a: {  	_ = 	snop  }
0x3b: {  	_ = 	snop  }
0x3c: {  	p2 =	seq.s32 s10, $0x1;
	s10 =	sld [smem:$0x3FBA]  }
0x3d: {  	_ =	shalt  }
0x3e: {  	_ =	shalt  }
0x3f: {  	_ =	shalt  }
0x40: {  	_ =	shalt  }
0x41: {  	_ =	shalt  }
0x42: {  	_ =	shalt  }
0x43: {  	_ =	shalt  }
0x44: {  	_ =	shalt  }
0x45: {  	_ =	shalt  }
0x46: {  	_ =	shalt  }
0x47: {  	_ =	shalt  }
0x48: {  	_ =	shalt  }
0x49: {  	_ =	shalt  }
0x4a: {  	_ =	shalt  }
0x4b: {  	_ =	shalt  }
0x4c: {  	_ =	shalt  }
0x4d: {  	_ =	shalt  }
0x4e: {  	_ =	shalt  }
0x4f: {  	_ =	shalt  }
0x50: {  	_ =	shalt  }
0x51: {  	_ =	shalt  }
0x52: {  	_ =	shalt  }
0x53: {  	_ =	shalt  }
0x54: {  	_ =	shalt  }
0x55: {  	_ =	shalt  }
0x56: {  	_ =	shalt  }
0x57: {  	_ =	shalt  }
0x58: {  	_ =	shalt  }
0x59: {  	_ =	shalt  }
0x5a: {  	_ =	shalt  }
0x5b: {  	_ =	shalt  }
0x5c: {  	_ =	shalt  }
0x5d: {  	_ =	shalt  }
0x5e: {  	_ =	shalt  }
0x5f: {  	_ =	shalt  }
0x60: {  	_ =	shalt  }
0x61: {  	_ =	shalt  }
0x62: {  	_ =	shalt  }
0x63: {  	_ =	shalt  }
0x64: {  	_ =	shalt  }
0x65: {  	_ =	shalt  }
0x66: {  	_ =	shalt  }
0x67: {  	_ =	shalt  }
0x68: {  	_ =	shalt  }
0x69: {  	_ =	shalt  }
0x6a: {  	_ =	shalt  }
0x6b: {  	_ =	shalt  }
0x6c: {  	_ =	shalt  }
0x6d: {  	_ =	shalt  }
0x6e: {  	_ =	shalt  }
0x6f: {  	_ =	shalt  }
0x70: {  	_ =	shalt  }
0x71: {  	_ =	shalt  }
0x72: {  	_ =	shalt  }
0x73: {  	_ =	shalt  }
0x74: {  	_ =	shalt  }
0x75: {  	_ =	shalt  }
0x76: {  	_ =	shalt  }
0x77: {  	_ =	shalt  }
0x78: {  	_ =	shalt  }
0x79: {  	_ =	shalt  }
0x7a: {  	_ =	shalt  }
0x7b: {  	_ =	shalt  }
0x7c: {  	_ =	shalt  }
0x7d: {  	_ =	shalt  }
0x7e: {  	_ =	shalt  }
0x7f: {  	_ =	shalt  }
0x80: {  	_ =	shalt  }
0x81: {  	_ =	shalt  }
0x82: {  	_ =	shalt  }
0x83: {  	_ =	shalt  }
0x84: {  	_ =	shalt  }
0x85: {  	_ =	shalt  }
0x86: {  	_ =	shalt  }
0x87: {  	_ =	shalt  }
.Lfunc_end0:
.L_simem_size_0:
called_computation_lowered:
.L_overlay_start_0:
0x88: {  	s2 =	sld [smem:$0x3FD9]  }
0x89: {  	s3 =	sld [smem:$0x3FFE];
	_ =	sdelay $0x1  }
0x8a: {  	s1 =	srdreg.scid  }
0x8b: {  	s0 =	sand.u32 $0x1, s1  }
0x8c: {  	s17 =	sshll.u32 s0, $0xA;
	s2 =	sadd.s32 s3, s2  }
0x8d: {  	s2 =	sadd.s32 s2, s17  }
0x8e: {  	[smem:$0x3FC6] =	sst s2  }
0x8f: {  	_ = 	snop  }
0x90: {  	s2 =	sld [smem:$0x3FC9]  }
0x91: {  	s18 =	sld [smem:$0x3FD0];
	(tm) =	ssettm $0x1  }
0x92: {  	s4 =	sld [smem:$0x3FFB];
	_ =	sdelay $0x3  }
0x93: {  	_ =	strace s4  }
0x94: {  	s4 =	sld [smem:$0x3FFC];
	_ =	sdelay $0x3  }
0x95: {  	_ =	strace s4  }
0x96: {  	s4 =	sld [smem:$0x3FFD];
	_ =	sdelay $0x3  }
0x97: {  	_ =	strace s4  }
0x98: {  	_ =	strace $0x8FFFFFFF  }
0x99: {  	s19 =	sld [smem:$0x3FDB];
	_ =	sdelay $0x1  }
0x9a: {  	s5 =	simm.s32 $_scs_section_size  }
0x9b: {  	s6 =	simm.s32 $_size__tile_overlayer_lowered;
	s7 =	simm.s32 $_tile_overlayer_lowered  }
0x9c: {  	s22 =	simm.s32 $0x1BFF;
	s21 =	sshll.u32 s7, $0x1;
	s4 =	sadd.s32 s5, s19  }
0x9d: {  	s8 =	simm.s32 $0x0;
	s20 =	sshll.u32 s6, $0x1;
	s6 =	sadd.s32 s21, s4  }
0x9e: {  	[timem:s8], [sflag:s22] =	dma.local [hbm:s6], s20  }
0x9f: {  	_ =	swait.ge [sflag:s22], s20  }
0xa0: {  	s5 =	ssub.s32 $0x0, s20;
	[sflag:s22] =	ssyncset.done $0x0  }
0xa1: {  	[sflag:s22] =	ssyncadd.s32 s5;
	_ =	sdelay $0x1  }
0xa2: {  	s23 =	simm.s32 $0x1B8B  }
0xa3: {  	_ =	swait.ge [sflag:s23], $0x1  }
0xa4: {  	[sflag:s23] =	ssyncset.done $0x0  }
0xa5: {  	s25 =	simm.s32 $0x1B8E;
	s24 =	sld [smem:$0x3FFE];
	[sflag:s23] =	ssyncadd.s32 $0xFFFFFFFF  }
0xa6: {  	s26 =	simm.s32 $execute0_lowered;
	[smem:$0x3FD2] =	sst s25  }
0xa7: {  	s6 =	sshll.u32 s26, $0x1;
	_ =	strace $0x80000046;
	[dreg:$0x1] =	wrdreg $0xFFFFFFFF  }
0xa8: {  	s28 =	simm.s32 $_size_execute0_lowered;
	s4 =	sadd.s32 s4, s6;
	[dreg:$0x0] =	wrdreg $0x0  }
0xa9: {  	s6 =	sshll.u32 s28, $0x1;
	[dreg:$0x2] =	wrdreg s4  }
0xaa: {  	[dreg:$0x3] =	wrdreg s6  }
0xab: {  	[dreg:$0x4] =	wrdreg $0xC0  }
0xac: {  	_ =	task [dreg:s8], $0x5FFFF  }
0xad: {  	[dreg:$0x1] =	wrdreg $0xFFFFFFFF  }
0xae: {  	[dreg:$0x0] =	wrdreg $0x60  }
0xaf: {  	[dreg:$0x2] =	wrdreg s2  }
0xb0: {  	[dreg:$0x3] =	wrdreg s24  }
0xb1: {  	[dreg:$0x4] =	wrdreg s18  }
0xb2: {  	[dreg:$0x5] =	wrdreg $0x9  }
0xb3: {  	_ =	task.clear_ibuf [dreg:s8], $0x6FFFF;
	_ =	strace $0x90000046  }
0xb4: {  	s29 =	simm.s32 $0x9;
	_ =	strace $0x80000048  }
0xb5: {  	_ =	swait.ge [sflag:s29], $0x1  }
0xb6: {  	[sflag:s29] =	ssyncadd.s32 $0xFFFFFFFF  }
0xb7: {  	_ =	strace $0x90000048  }
0xb8: {  	_ =	sfence  }
0xb9: {  	s30 =	sld [smem:$0x0];
	_ =	sdelay $0x2  }
0xba: {  	s31 =	sshll.u32 s1, $0xD;
	s1 =	sshrl.u32 s1, $0x2  }
0xbb: {  	s3 =	sand.u32 $0x4000, s31;
	s1 =	sadd.s32 s1, s30  }
0xbc: {  	s0 =	sor.u32 s3, s0;
	s1 =	sshll.u32 s1, $0x11  }
0xbd: {  	s0 =	sor.u32 s1, s0  }
0xbe: {  	s0 =	sadd.s32 $0x8F2B, s0  }
0xbf: {  	[sflag:s0] =	ssyncadd.remote.s32 $0x1  }
0xc0: {  	_ =	sfence.sel $0xFFFF  }
0xc1: {  	[dreg:$0x0] =	wrdreg $0xFFFFFFFF;
	(pc) =	sbr.abs _section_cstart, $3  }
0xc2: {  	[dreg:$0x1] =	wrdreg $0xFFFFFFFF  }
0xc3: {  	_ =	task.clear_ibuf [dreg:s8], $0x2FFFF;
	_ =	strace $0x9FFFFFFF  }
0xc4: {  	(tm) =	ssettm $0x7FFFFFFF  }
0xc5: {  	_ =	shalt  }
tec
execute0_lowered:
.L_overlay_start_1:
0x0: {  	(tag) =	ssettag $0x1  }
0x1: {  	s1 =	rddreg [dreg:$0x0]  }
0x2: {  	s0 =	rddreg [dreg:$0x1]  }
0x3: {  	s3 =	rddreg [dreg:$0x2]  }
0x4: {  	s2 =	srdreg.scid;
	s4 =	simm.s32 $0x0;
	s5 =	stileid.u32  }
0x5: {  	s12 =	simm.s32 $0x8080;
	s13 =	simm.s32 $0xC080;
	s14 =	simm.s32 $0x1  }
0x6: {  	s15 =	simm.s32 $0x10080;
	s16 =	simm.s32 $0x2;
	s17 =	simm.s32 $0x4  }
0x7: {  	s18 =	simm.s32 $0x14080;
	s21 =	simm.s32 $0x0;
	s2 =	sand.u32 $0x1, s2  }
0x8: {  	[smem:$0x7FF] =	sst s4;
	s5 =	sshll.u32 s5, $0x14;
	s6 =	sshll.u32 s2, $0x13  }
0x9: {  	s0 =	sadd.s32 $0x400, s0;
	s2 =	ssub.s32 $0x2, s2;
	s5 =	sor.u32 s6, s5  }
0xa: {  	_ =	strace $0x80000047;
	s30 =	sshrl.u32 s2, $0x1;
	s6 =	sshrl.u32 s5, $0x3  }
0xb: {  	[dreg:$0x4] =	wrdreg s0;
	s0 =	ssub.s32 s2, s30;
	s31 =	sadd.s32 s1, s6  }
0xc: {  	v0 =	vlaneseq.u32;
	s8 =	sor.u32 $0x4000, s5;
	s0 =	smax.u32 s0, $0x1;
	[dreg:$0x5] =	wrdreg s31  }
0xd: {  	v0 =	vmul.u32 $0x10, v0;
	s9 =	sor.u32 $0x8000, s5;
	s2 =	simm.s32 $0x0;
	[dreg:$0x6] =	wrdreg s0  }
.LBB2_1:
0xe: {  	[dreg:$0x7] =	wrdreg s2  }
0xf: {  	s0 =	rddreg [dreg:$0x4];
	s30 =	simm.s32 $0x5  }
0x10: {  	[tilespmem:s4], [sflag:$0x5] =	stream.linear.gather [hbm4b:s0+s4], $0x4000, $0x38;
	[tilespmem:$0x18080] =	vst v63  }
0x11: {  	_ =	swait.ge [sflag:s30], $0x4000  }
0x12: {  	[sflag:s30] =	ssyncset.done $0x0  }
0x13: {  	s31 =	simm.s32 $0x20;
	[sflag:s30] =	ssyncadd.s32 $0xFFFFC000  }
0x14: {  	v6 =	vld [tilespmem:s31+$0x10]  }
0x15: {  	v3 =	vld [tilespmem:s31+$0x11]  }
0x16: {  	v1 =	vld [tilespmem:s31+$0xFFFFFFF0]  }
0x17: {  	v4 =	vld [tilespmem:s31+$0xFFFFFFF1]  }
0x18: {  	v2 =	vld [tilespmem:s31+$0x0]  }
0x19: {  	v9 =	vld [tilespmem:s31+$0x1]  }
0x1a: {  	v8 =	vld [tilespmem:s31+$0xFFFFFFE1]  }
0x1b: {  	v10 =	vsub.f32 v3, v6;
	v3 =	vld [tilespmem:s31+$0xFFFFFFE0];
	v7 =	vshrl.u32 v6, $0x10  }
0x1c: {  	v5 =	vshrl.u32 v1, $0x10;
	v12 =	vand.u32 $0x1, v7  }
0x1d: {  	v4 =	vsub.f32 v4, v1;
	v11 =	vshrl.u32 v10, $0x10;
	v12 =	vadd.s32 v12, v6  }
0x1e: {  	v6 =	vsub.f32 v9, v2;
	v11 =	vand.u32 $0x1, v11;
	v9 =	vadd.s32 $0x7FFF, v12  }
0x1f: {  	v7 =	vshrl.u32 v2, $0x10;
	v10 =	vadd.s32 v11, v10;
	v9 =	vand.u32 $0xFFFF0000, v9  }
0x20: {  	v11 =	vshrl.u32 v4, $0x10;
	v10 =	vadd.s32 $0x7FFF, v10;
	v8 =	vsub.f32 v8, v3  }
0x21: {  	v13 =	vshrl.u32 v6, $0x10;
	v12 =	vshrl.u32 v3, $0x10;
	v10 =	vshrl.u32 v10, $0x10  }
0x22: {  	s0 =	simm.s32 $0x40A0;
	v10 =	vor.u32 v9, v10;
	v14 =	vshrl.u32 v8, $0x10;
	v9 =	vand.u32 $0x1, v11  }
0x23: {  	s2 =	simm.s32 $0x0;
	s6 =	simm.s32 $0x60;
	v11 =	vand.u32 $0x1, v13;
	[tilespmem:s0+$0x10] =	vst v10;
	v10 =	vand.u32 $0x1, v12;
	v12 =	vand.u32 $0x1, v14  }
.LBB2_2:
0x24: {  	v13 =	vld [tilespmem:s6+$0x10];
	v8 =	vadd.s32 v12, v8;
	v5 =	vand.u32 $0x1, v5;
	v7 =	vand.u32 $0x1, v7  }
0x25: {  	s2 =	sadd.s32 $0x4, s2;
	v3 =	vadd.s32 v10, v3;
	v4 =	vadd.s32 v9, v4;
	v6 =	vadd.s32 v11, v6;
	v12 =	vld [tilespmem:s6+$0x11]  }
0x26: {  	p0 =	slt.u32 s2, $0x3FC;
	v8 =	vadd.s32 $0x7FFF, v8;
	v5 =	vadd.s32 v5, v1;
	v2 =	vadd.s32 v7, v2;
	v9 =	vld [tilespmem:s6+$0xFFFFFFE1]  }
0x27: {  	v3 =	vadd.s32 $0x7FFF, v3;
	v4 =	vadd.s32 $0x7FFF, v4;
	v6 =	vadd.s32 $0x7FFF, v6;
	v1 =	vld [tilespmem:s6+$0xFFFFFFF0]  }
0x28: {  	v8 =	vshrl.u32 v8, $0x10;
	v5 =	vadd.s32 $0x7FFF, v5;
	v10 =	vadd.s32 $0x7FFF, v2;
	v7 =	vld [tilespmem:s6+$0xFFFFFFF1]  }
0x29: {  	v11 =	vand.u32 $0xFFFF0000, v3;
	v4 =	vshrl.u32 v4, $0x10;
	v6 =	vshrl.u32 v6, $0x10;
	v2 =	vld [tilespmem:s6+$0x0]  }
0x2a: {  	v5 =	vand.u32 $0xFFFF0000, v5;
	v10 =	vand.u32 $0xFFFF0000, v10;
	v14 =	vld [tilespmem:s6+$0x1];
	v12 =	vsub.f32 v12, v13  }
0x2b: {  	v8 =	vor.u32 v11, v8;
	v11 =	vor.u32 v5, v4;
	v6 =	vor.u32 v10, v6;
	v3 =	vld [tilespmem:s6+$0xFFFFFFE0]  }
0x2c: {  	v10 =	vshrl.u32 v13, $0x10;
	v5 =	vshrl.u32 v1, $0x10;
	v15 =	vshrl.u32 v12, $0x10;
	[tilespmem:s0+$0xFFFFFFE0] =	vst v8  }
0x2d: {  	v8 =	vand.u32 $0x1, v10;
	v4 =	vsub.f32 v7, v1;
	v10 =	vand.u32 $0x1, v15;
	[tilespmem:s0+$0xFFFFFFF0] =	vst v11  }
0x2e: {  	v8 =	vadd.s32 v8, v13;
	v7 =	vshrl.u32 v2, $0x10;
	v10 =	vadd.s32 v10, v12;
	[tilespmem:s0+$0x0] =	vst v6  }
.Ltmp0:
0x2f: {  	v11 =	vadd.s32 $0x7FFF, v8;
	v6 =	vsub.f32 v14, v2;
	v10 =	vadd.s32 $0x7FFF, v10;
	(pc) =	sbr.rel @p0 .LBB2_2-.Ltmp0, $4  }
0x30: {  	v8 =	vsub.f32 v9, v3;
	v9 =	vand.u32 $0xFFFF0000, v11;
	v10 =	vshrl.u32 v10, $0x10  }
0x31: {  	s0 =	sadd.s32 $0x40, s0;
	v11 =	vshrl.u32 v4, $0x10;
	v13 =	vshrl.u32 v6, $0x10;
	v10 =	vor.u32 v9, v10  }
0x32: {  	v12 =	vshrl.u32 v3, $0x10;
	v9 =	vand.u32 $0x1, v11;
	v14 =	vshrl.u32 v8, $0x10;
	[tilespmem:s0+$0x10] =	vst v10  }
0x33: {  	s6 =	sadd.s32 $0x40, s6;
	v10 =	vand.u32 $0x1, v12;
	v11 =	vand.u32 $0x1, v13;
	v12 =	vand.u32 $0x1, v14  }
0x34: {  	v8 =	vadd.s32 v12, v8  }
0x35: {  	v5 =	vand.u32 $0x1, v5;
	v7 =	vand.u32 $0x1, v7;
	v3 =	vadd.s32 v10, v3  }
0x36: {  	v4 =	vadd.s32 v9, v4;
	v6 =	vadd.s32 v11, v6;
	v8 =	vadd.s32 $0x7FFF, v8  }
0x37: {  	v1 =	vadd.s32 v5, v1;
	v2 =	vadd.s32 v7, v2;
	v3 =	vadd.s32 $0x7FFF, v3  }
0x38: {  	v4 =	vadd.s32 $0x7FFF, v4;
	v62 =	vadd.s32 $0x7FFF, v6;
	v63 =	vshrl.u32 v8, $0x10  }
0x39: {  	v1 =	vadd.s32 $0x7FFF, v1;
	v2 =	vadd.s32 $0x7FFF, v2;
	v3 =	vand.u32 $0xFFFF0000, v3  }
0x3a: {  	v4 =	vshrl.u32 v4, $0x10;
	v1 =	vand.u32 $0xFFFF0000, v1;
	v3 =	vor.u32 v3, v63  }
0x3b: {  	v5 =	vshrl.u32 v62, $0x10;
	v2 =	vand.u32 $0xFFFF0000, v2;
	v1 =	vor.u32 v1, v4;
	[tilespmem:s0+$0xFFFFFFE0] =	vst v3  }
0x3c: {  	v2 =	vor.u32 v2, v5;
	[tilespmem:s0+$0xFFFFFFF0] =	vst v1  }
0x3d: {  	[tilespmem:s0+$0x0] =	vst v2  }
0x3e: {  	s22 =	simm.s32 $0x0;
	s0 =	rddreg [dreg:$0x5]  }
0x3f: {  	[tilespmem:s12], [sflag:$0x1] =	stream.linear.gather [hbm4b:s0+s21], $0x4000, $0x38;
	[tilespmem:$0x18080] =	vst v63  }
.LBB2_4:
0x40: {  	s24 =	sshll.u32 s22, $0xF  }
0x41: {  	s0 =	sadd.s32 s8, s24  }
0x42: {  	s23 =	sshrl.u32 s0, $0x3  }
0x43: {  	s0 =	sadd.s32 s1, s23  }
0x44: {  	[tilespmem:s13], [sflag:$0x2] =	stream.linear.gather [hbm4b:s0+s4], $0x4000, $0x38;
	[tilespmem:$0x18080] =	vst v63  }
0x45: {  	_ =	swait.ge [sflag:s14], $0x4000  }
0x46: {  	p0 =	seq.s32 s22, $0x0;
	[sflag:s14] =	ssyncset.done $0x0  }
0x47: {  	s0 =	simm.s32 @!p0 $0x3;
	[sflag:s14] =	ssyncadd.s32 $0xFFFFC000  }
0x48: {  	_ =	swait.ge @!p0 [sflag:s0], $0x4000  }
0x49: {  	[sflag:s0] =	ssyncset.done @!p0 $0x0  }
0x4a: {  	s10 =	simm.s32 $0x80C0;
	[sflag:s0] =	ssyncadd.s32 @!p0 $0xFFFFC000  }
0x4b: {  	v1 =	vld [tilespmem:s10+$0x30]  }
0x4c: {  	v2 =	vld [tilespmem:s10+$0xFFFFFFD0]  }
0x4d: {  	v3 =	vld [tilespmem:s10+$0xFFFFFFE0]  }
0x4e: {  	v4 =	vld [tilespmem:s10+$0xFFFFFFF0]  }
0x4f: {  	v5 =	vld [tilespmem:s10+$0x0]  }
0x50: {  	v6 =	vld [tilespmem:s10+$0x10]  }
0x51: {  	v7 =	vld [tilespmem:s10+$0x20]  }
0x52: {  	v8 =	vld [tilespmem:s10+$0xFFFFFFC0]  }
0x53: {  	v1 =	vmul.f32 $2.500000000e+00, v1;
	v2 =	vmul.f32 $2.500000000e+00, v2  }
0x54: {  	v3 =	vmul.f32 $2.500000000e+00, v3;
	v4 =	vmul.f32 $2.500000000e+00, v4  }
0x55: {  	v5 =	vmul.f32 $2.500000000e+00, v5;
	v6 =	vmul.f32 $2.500000000e+00, v6  }
0x56: {  	v7 =	vmul.f32 $2.500000000e+00, v7;
	v1 =	vadd.f32 $7.500000000e+00, v1;
	v2 =	vadd.f32 $7.500000000e+00, v2  }
0x57: {  	v8 =	vmul.f32 $2.500000000e+00, v8;
	v3 =	vadd.f32 $7.500000000e+00, v3;
	v4 =	vadd.f32 $7.500000000e+00, v4  }
0x58: {  	v5 =	vadd.f32 $7.500000000e+00, v5;
	v6 =	vadd.f32 $7.500000000e+00, v6  }
0x59: {  	v7 =	vadd.f32 $7.500000000e+00, v7;
	v8 =	vadd.f32 $7.500000000e+00, v8;
	v1 =	vmax.f32 v1, $0.0e+00  }
0x5a: {  	v2 =	vmax.f32 v2, $0.0e+00;
	v3 =	vmax.f32 v3, $0.0e+00;
	v4 =	vmax.f32 v4, $0.0e+00  }
0x5b: {  	v5 =	vmax.f32 v5, $0.0e+00;
	v6 =	vmax.f32 v6, $0.0e+00;
	v7 =	vmax.f32 v7, $0.0e+00  }
0x5c: {  	v8 =	vmax.f32 v8, $0.0e+00;
	v1 =	vmin.f32 v1, $1.499999900e+01;
	v2 =	vmin.f32 v2, $1.499999900e+01  }
0x5d: {  	v8 =	vmin.f32 v8, $1.499999900e+01;
	v4 =	vmin.f32 v4, $1.499999900e+01;
	v9 =	vtrunc.f32 v1  }
0x5e: {  	v5 =	vmin.f32 v5, $1.499999900e+01;
	v11 =	vtrunc.f32 v8;
	v12 =	vtrunc.f32 v2  }
0x5f: {  	v3 =	vmin.f32 v3, $1.499999900e+01;
	v14 =	vtrunc.f32 v4;
	v15 =	vtrunc.f32 v5  }
0x60: {  	v6 =	vmin.f32 v6, $1.499999900e+01;
	v9 =	vcvt.f32.s32 v9;
	v15 =	vcvt.f32.s32 v15  }
0x61: {  	v13 =	vmin.f32 v7, $1.499999900e+01;
	v11 =	vcvt.f32.s32 v11;
	v14 =	vcvt.f32.s32 v14  }
0x62: {  	s20 =	simm.s32 $0x8140;
	v10 =	vadd.s32 v0, v9;
	v22 =	vadd.s32 v0, v15;
	v15 =	vcvt.s32.f32 v15  }
0x63: {  	v23 =	vld [tilespmem:s20+$0x30];
	v16 =	vtrunc.f32 v6;
	v17 =	vadd.s32 v0, v11;
	v9 =	vcvt.s32.f32 v9  }
0x64: {  	v21 =	vadd.s32 v0, v14;
	v11 =	vcvt.s32.f32 v11;
	v15 =	vsub.f32 v5, v15;
	v5 =	vld [tilespmem:s20+$0x10]  }
0x65: {  	s2 =	sand.u32 $0x3800, s21;
	v7 =	vtrunc.f32 v3;
	v1 =	vsub.f32 v1, v9;
	v9 =	vcvt.f32.s32 v16  }
0x66: {  	s11 =	sor.u32 $0x4780, s2;
	v18 =	vtrunc.f32 v13;
	v12 =	vcvt.f32.s32 v12;
	v8 =	vsub.f32 v8, v11;
	v11 =	vld [tilespmem:s20+$0xFFFFFFE0]  }
0x67: {  	v19 =	vcvt.f32.s32 v7;
	v24 =	vadd.s32 v0, v9;
	v9 =	vcvt.s32.f32 v9;
	v10 =	vld.idx.msk [tilespmem:v10+s11+$0x0], $0xffff  }
0x68: {  	s26 =	sor.u32 $0x4380, s2;
	v14 =	vcvt.s32.f32 v14;
	v16 =	vcvt.f32.s32 v18  }
0x69: {  	v21 =	vld.idx.msk [tilespmem:v21+s26+$0x0], $0xffff;
	v9 =	vsub.f32 v6, v9;
	v6 =	vmul.f32 $2.500000000e+00, v23;
	v5 =	vmul.f32 $2.500000000e+00, v5  }
0x6a: {  	s19 =	sor.u32 $0x4080, s2;
	v20 =	vadd.s32 v0, v19;
	v14 =	vsub.f32 v4, v14;
	v4 =	vcvt.s32.f32 v16  }
0x6b: {  	s7 =	sor.u32 $0x4480, s2;
	v18 =	vadd.s32 v0, v12;
	v17 =	vld.idx.msk [tilespmem:v17+s19+$0x0], $0xffff;
	v6 =	vadd.f32 $7.500000000e+00, v6;
	v5 =	vadd.f32 $7.500000000e+00, v5  }
0x6c: {  	v22 =	vld.idx.msk [tilespmem:v22+s7+$0x0], $0xffff;
	v25 =	vsub.f32 v13, v4;
	v11 =	vmul.f32 $2.500000000e+00, v11;
	v7 =	vshll.u32 v10, $0x10  }
0x6d: {  	s10 =	sor.u32 $0x4580, s2;
	v6 =	vmax.f32 v6, $0.0e+00;
	v1 =	vmul.f32 v7, v1;
	v5 =	vmax.f32 v5, $0.0e+00  }
0x6e: {  	v24 =	vld.idx.msk [tilespmem:v24+s10+$0x0], $0xffff;
	v34 =	vshll.u32 v21, $0x10;
	v6 =	vmin.f32 v6, $1.499999900e+01;
	v28 =	vmin.f32 v5, $1.499999900e+01  }
0x6f: {  	v23 =	vld [tilespmem:s20+$0x20];
	v7 =	vadd.f32 v10, v1;
	v1 =	vcvt.s32.f32 v12;
	v12 =	vcvt.s32.f32 v19  }
0x70: {  	v10 =	vld [tilespmem:s20+$0xFFFFFFD0];
	v19 =	vadd.s32 v0, v16;
	v16 =	vshll.u32 v17, $0x10;
	v32 =	vtrunc.f32 v28  }
0x71: {  	v35 =	vshll.u32 v22, $0x10;
	v4 =	vmul.f32 v16, v8;
	v8 =	vld [tilespmem:s20+$0xFFFFFFC0];
	v16 =	vtrunc.f32 v6  }
0x72: {  	v1 =	vsub.f32 v2, v1;
	v2 =	vld [tilespmem:s20+$0xFFFFFFF0];
	v12 =	vsub.f32 v3, v12;
	v16 =	vcvt.f32.s32 v16  }
0x73: {  	s25 =	sor.u32 $0x4180, s2;
	v36 =	vshll.u32 v24, $0x10;
	v3 =	vld [tilespmem:s20+$0x0];
	v13 =	vadd.f32 v17, v4;
	v4 =	vadd.f32 $7.500000000e+00, v11  }
0x74: {  	v9 =	vmul.f32 v36, v9;
	v11 =	vmul.f32 $2.500000000e+00, v23;
	v17 =	vld.idx.msk [tilespmem:v18+s25+$0x0], $0xffff;
	v18 =	vadd.s32 v0, v16  }
0x75: {  	v16 =	vcvt.s32.f32 v16;
	v10 =	vmul.f32 $2.500000000e+00, v10;
	v4 =	vmax.f32 v4, $0.0e+00  }
0x76: {  	v11 =	vadd.f32 $7.500000000e+00, v11;
	v8 =	vmul.f32 $2.500000000e+00, v8;
	v4 =	vmin.f32 v4, $1.499999900e+01  }
0x77: {  	v6 =	vsub.f32 v6, v16;
	v16 =	vcvt.f32.s32 v32;
	v10 =	vadd.f32 $7.500000000e+00, v10  }
0x78: {  	v2 =	vmul.f32 $2.500000000e+00, v2;
	v3 =	vmul.f32 $2.500000000e+00, v3;
	v11 =	vmax.f32 v11, $0.0e+00  }
0x79: {  	s6 =	sor.u32 $0x4280, s2;
	v5 =	vtrunc.f32 v4;
	v8 =	vadd.f32 $7.500000000e+00, v8;
	v11 =	vmin.f32 v11, $1.499999900e+01  }
0x7a: {  	s11 =	simm.s32 $0x800;
	v23 =	vld.idx.msk [tilespmem:v20+s6+$0x0], $0xffff;
	v29 =	vshll.u32 v17, $0x10;
	v5 =	vcvt.f32.s32 v5;
	v2 =	vadd.f32 $7.500000000e+00, v2  }
0x7b: {  	s0 =	sand.u32 $0x3800, s11;
	v3 =	vadd.f32 $7.500000000e+00, v3;
	v10 =	vmax.f32 v10, $0.0e+00;
	v33 =	vtrunc.f32 v11  }
0x7c: {  	s6 =	sor.u32 $0x4780, s0;
	v8 =	vmax.f32 v8, $0.0e+00;
	v10 =	vmin.f32 v10, $1.499999900e+01;
	v2 =	vmax.f32 v2, $0.0e+00  }
0x7d: {  	v18 =	vld.idx.msk [tilespmem:v18+s6+$0x0], $0xffff;
	v3 =	vmax.f32 v3, $0.0e+00;
	v8 =	vmin.f32 v8, $1.499999900e+01;
	v26 =	vmin.f32 v2, $1.499999900e+01  }
0x7e: {  	v27 =	vmin.f32 v3, $1.499999900e+01;
	v2 =	vtrunc.f32 v8;
	v3 =	vtrunc.f32 v10  }
0x7f: {  	v31 =	vshll.u32 v23, $0x10;
	v20 =	vtrunc.f32 v26;
	v30 =	vtrunc.f32 v27  }
0x80: {  	v41 =	vadd.s32 v0, v16;
	v2 =	vcvt.f32.s32 v2;
	v3 =	vcvt.f32.s32 v3  }
0x81: {  	s2 =	sor.u32 $0x4680, s2;
	v48 =	vadd.s32 v0, v5;
	v37 =	vcvt.f32.s32 v20;
	v30 =	vcvt.f32.s32 v30  }
0x82: {  	v20 =	vld.idx.msk [tilespmem:v19+s2+$0x0], $0xffff;
	v19 =	vcvt.f32.s32 v33;
	v46 =	vshll.u32 v18, $0x10;
	v47 =	vadd.s32 v0, v2  }
0x83: {  	v38 =	vadd.s32 v0, v3;
	v6 =	vmul.f32 v46, v6;
	v2 =	vcvt.s32.f32 v2  }
0x84: {  	v3 =	vcvt.s32.f32 v3;
	v39 =	vadd.s32 v0, v37;
	v40 =	vadd.s32 v0, v30  }
0x85: {  	s20 =	simm.s32 $0x81C0;
	v42 =	vadd.s32 v0, v19;
	v37 =	vcvt.s32.f32 v37;
	v30 =	vcvt.s32.f32 v30  }
0x86: {  	v44 =	vld [tilespmem:s20+$0x30];
	v43 =	vadd.f32 v18, v6;
	v6 =	vcvt.s32.f32 v5;
	v8 =	vsub.f32 v8, v2  }
0x87: {  	v5 =	vsub.f32 v10, v3;
	v10 =	vcvt.s32.f32 v19;
	v19 =	vld [tilespmem:s20+$0xFFFFFFD0];
	v3 =	vsub.f32 v26, v37  }
0x88: {  	v16 =	vcvt.s32.f32 v16;
	v2 =	vsub.f32 v4, v6;
	v6 =	vsub.f32 v27, v30;
	v27 =	vld [tilespmem:s20+$0xFFFFFFE0]  }
0x89: {  	v26 =	vmul.f32 v29, v1;
	v1 =	vsub.f32 v11, v10;
	v10 =	vmul.f32 v31, v12;
	v11 =	vld [tilespmem:s20+$0xFFFFFFF0]  }
0x8a: {  	s19 =	sor.u32 $0x4080, s0;
	v50 =	vadd.f32 v24, v9;
	v12 =	vmul.f32 v34, v14;
	v14 =	vmul.f32 v35, v15;
	v15 =	vld [tilespmem:s20+$0x0]  }
0x8b: {  	v18 =	vshll.u32 v20, $0x10;
	v4 =	vsub.f32 v28, v16;
	v16 =	vmul.f32 $2.500000000e+00, v44;
	v33 =	vld.idx.msk [tilespmem:v47+s19+$0x0], $0xffff  }
0x8c: {  	s30 =	simm.s32 $0x100C0;
	v31 =	vmul.f32 v18, v25;
	v18 =	vld [tilespmem:s20+$0x20];
	v21 =	vadd.f32 v21, v12;
	v12 =	vmul.f32 $2.500000000e+00, v19  }
0x8d: {  	s26 =	sor.u32 $0x4280, s0;
	s7 =	sor.u32 $0x4380, s0;
	s11 =	sor.u32 $0x4580, s0;
	v23 =	vadd.f32 v23, v10;
	v10 =	vld [tilespmem:s20+$0x10];
	v16 =	vadd.f32 $7.500000000e+00, v16  }
0x8e: {  	s10 =	sor.u32 $0x4480, s0;
	s25 =	sor.u32 $0x4180, s0;
	s0 =	sor.u32 $0x4680, s0;
	v49 =	vadd.f32 v22, v14;
	v14 =	vld [tilespmem:s20+$0xFFFFFFC0];
	v9 =	vadd.f32 $7.500000000e+00, v12  }
0x8f: {  	[tilespmem:s30+$0x30] =	vst v7;
	v7 =	vld.idx.msk [tilespmem:v42+s0+$0x0], $0xffff;
	v11 =	vmul.f32 $2.500000000e+00, v11;
	v12 =	vmul.f32 $2.500000000e+00, v15;
	v15 =	vmax.f32 v16, $0.0e+00  }
0x90: {  	v29 =	vadd.f32 v17, v26;
	v17 =	vshll.u32 v33, $0x10;
	v22 =	vmin.f32 v15, $1.499999900e+01  }
0x91: {  	v8 =	vmul.f32 v17, v8;
	v17 =	vmul.f32 $2.500000000e+00, v27;
	v16 =	vadd.f32 $7.500000000e+00, v11  }
0x92: {  	v10 =	vmul.f32 $2.500000000e+00, v10;
	v15 =	vadd.f32 $7.500000000e+00, v12;
	v11 =	vmul.f32 $2.500000000e+00, v18  }
0x93: {  	v12 =	vtrunc.f32 v22;
	v14 =	vmul.f32 $2.500000000e+00, v14;
	v9 =	vmax.f32 v9, $0.0e+00  }
0x94: {  	v32 =	vshll.u32 v7, $0x10;
	v51 =	vadd.f32 v33, v8;
	v8 =	vadd.f32 $7.500000000e+00, v17  }
0x95: {  	v27 =	vcvt.f32.s32 v12;
	v10 =	vadd.f32 $7.500000000e+00, v10;
	v17 =	vadd.f32 $7.500000000e+00, v11  }
0x96: {  	v14 =	vadd.f32 $7.500000000e+00, v14;
	v16 =	vmax.f32 v16, $0.0e+00;
	v19 =	vmax.f32 v15, $0.0e+00  }
0x97: {  	v11 =	vld.idx.msk [tilespmem:v38+s25+$0x0], $0xffff;
	v38 =	vadd.f32 v20, v31;
	v25 =	vadd.s32 v0, v27;
	v15 =	vmin.f32 v16, $1.499999900e+01  }
0x98: {  	v16 =	vmin.f32 v19, $1.499999900e+01;
	v45 =	vcvt.s32.f32 v27;
	v8 =	vmax.f32 v8, $0.0e+00  }
0x99: {  	v24 =	vmax.f32 v10, $0.0e+00;
	v26 =	vmax.f32 v17, $0.0e+00;
	v14 =	vmax.f32 v14, $0.0e+00  }
0x9a: {  	s28 =	simm.s32 $0x1000;
	v12 =	vld.idx.msk [tilespmem:v48+s26+$0x0], $0xffff;
	v17 =	vmin.f32 v9, $1.499999900e+01;
	v55 =	vtrunc.f32 v15;
	v56 =	vtrunc.f32 v16  }
0x9b: {  	s2 =	sand.u32 $0x3800, s28;
	v18 =	vmin.f32 v8, $1.499999900e+01;
	v52 =	vmin.f32 v14, $1.499999900e+01;
	v30 =	vtrunc.f32 v17  }
0x9c: {  	s19 =	sor.u32 $0x4780, s2;
	v19 =	vmin.f32 v24, $1.499999900e+01;
	v60 =	vcvt.f32.s32 v55;
	v61 =	vcvt.f32.s32 v56  }
0x9d: {  	v14 =	vmin.f32 v26, $1.499999900e+01;
	v28 =	vtrunc.f32 v52;
	v53 =	vtrunc.f32 v18;
	v54 =	vld.idx.msk [tilespmem:v25+s19+$0x0], $0xffff  }
0x9e: {  	[tilespmem:s30+$0xFFFFFFC0] =	vst v13;
	v10 =	vld.idx.msk [tilespmem:v39+s7+$0x0], $0xffff;
	v13 =	vsub.f32 v22, v45;
	v57 =	vtrunc.f32 v19;
	v58 =	vtrunc.f32 v14  }
0x9f: {  	v9 =	vld.idx.msk [tilespmem:v40+s10+$0x0], $0xffff;
	v26 =	vshll.u32 v12, $0x10;
	v46 =	vcvt.f32.s32 v30;
	v59 =	vcvt.f32.s32 v28  }
0xa0: {  	[tilespmem:s30+$0x10] =	vst v50;
	v24 =	vshll.u32 v11, $0x10;
	v47 =	vcvt.f32.s32 v53;
	v40 =	vcvt.f32.s32 v57  }
0xa1: {  	[tilespmem:s30+$0xFFFFFFE0] =	vst v23;
	v33 =	vcvt.f32.s32 v58;
	v23 =	vadd.s32 v0, v60;
	v35 =	vcvt.s32.f32 v60  }
0xa2: {  	[tilespmem:s30+$0xFFFFFFD0] =	vst v29;
	v8 =	vld.idx.msk [tilespmem:v41+s11+$0x0], $0xffff;
	v39 =	vcvt.s32.f32 v61;
	v62 =	vadd.s32 v0, v59;
	v22 =	vshll.u32 v54, $0x10  }
0xa3: {  	[tilespmem:s30+$0xFFFFFFF0] =	vst v21;
	v30 =	vadd.s32 v0, v46;
	v36 =	vcvt.s32.f32 v46;
	v13 =	vmul.f32 v22, v13  }
0xa4: {  	s31 =	simm.s32 $0x10;
	s29 =	simm.s32 $0x101C0;
	[tilespmem:s30+$0x0] =	vst v49;
	s25 =	simm.s32 $0x10140;
	v25 =	vshll.u32 v10, $0x10;
	v27 =	vshll.u32 v9, $0x10;
	v44 =	vcvt.s32.f32 v59  }
0xa5: {  	s6 =	sor.u32 $0x4480, s2;
	s20 =	sor.u32 $0x4080, s2;
	s0 =	simm.s32 $0x8240;
	[tilespmem:s25+$0x30] =	vst v43;
	v29 =	vadd.s32 v0, v47;
	v21 =	vadd.s32 v0, v40;
	v63 =	vadd.f32 v54, v13  }
0xa6: {  	s26 =	sor.u32 s5, s24;
	[tilespmem:s25+$0xFFFFFFC0] =	vst v51;
	s10 =	sor.u32 $0x4380, s2;
	s7 =	sor.u32 $0x4580, s2;
	v37 =	vcvt.s32.f32 v47;
	v20 =	vcvt.s32.f32 v40;
	v34 =	vsub.f32 v52, v44  }
0xa7: {  	s11 =	sor.u32 $0x4280, s2;
	s19 =	sor.u32 $0x4180, s2;
	s2 =	sor.u32 $0x4680, s2;
	v28 =	vshll.u32 v8, $0x10;
	v22 =	vadd.s32 v0, v61;
	v31 =	vld.idx.msk [tilespmem:v62+s20+$0x0], $0xffff;
	v13 =	vadd.s32 v0, v33;
	[tilespmem:s29+$0x30] =	vst v63  }
.LBB2_5:
0xa8: {  	v40 =	vld [tilespmem:s0+$0x30];
	s31 =	sadd.s32 $0x8, s31;
	v17 =	vsub.f32 v17, v36;
	v18 =	vsub.f32 v18, v37;
	v33 =	vcvt.s32.f32 v33;
	[tilespmem:s30+$0x20] =	vst v38;
	s30 =	smov.u32 s25;
	s25 =	smov.u32 s29  }
0xa9: {  	v15 =	vsub.f32 v15, v35;
	v24 =	vmul.f32 v24, v5;
	v36 =	vld [tilespmem:s0+$0xFFFFFFD0];
	p1 =	slt.u32 s31, $0x3F8;
	v16 =	vsub.f32 v16, v39  }
0xaa: {  	v19 =	vsub.f32 v19, v20;
	v20 =	vmul.f32 v26, v2;
	v35 =	vld [tilespmem:s0+$0xFFFFFFE0];
	v14 =	vsub.f32 v14, v33;
	v5 =	vmovc v17  }
0xab: {  	v11 =	vadd.f32 v11, v24;
	v24 =	vmul.f32 v25, v3;
	v25 =	vmul.f32 v27, v6;
	v2 =	vmovc v18;
	v17 =	vld [tilespmem:s0+$0xFFFFFFF0]  }
0xac: {  	v26 =	vmul.f32 v28, v4;
	v3 =	vmovc v15;
	v12 =	vadd.f32 v12, v20;
	v20 =	vmul.f32 v32, v1;
	v18 =	vld [tilespmem:s0+$0x0]  }
0xad: {  	v6 =	vmovc v16;
	v4 =	vmovc v19;
	v28 =	vshll.u32 v31, $0x10;
	v10 =	vadd.f32 v10, v24;
	v15 =	vld [tilespmem:s0+$0x10];
	v27 =	vmul.f32 $2.500000000e+00, v40;
	[tilespmem:s30+$0xFFFFFFD0] =	vst v11  }
0xae: {  	v9 =	vadd.f32 v9, v25;
	v1 =	vmovc v14;
	v19 =	vmul.f32 v28, v34;
	v11 =	vmul.f32 $2.500000000e+00, v36;
	v16 =	vld [tilespmem:s0+$0x20];
	[tilespmem:s30+$0xFFFFFFE0] =	vst v12  }
0xaf: {  	v8 =	vadd.f32 v8, v26;
	v14 =	vld [tilespmem:s0+$0xFFFFFFC0];
	v12 =	vmul.f32 $2.500000000e+00, v35;
	v24 =	vadd.f32 $7.500000000e+00, v27;
	[tilespmem:s30+$0xFFFFFFF0] =	vst v10  }
0xb0: {  	v25 =	vadd.f32 $7.500000000e+00, v11;
	v10 =	vmul.f32 $2.500000000e+00, v17;
	v17 =	vadd.f32 v31, v19;
	v11 =	vld.idx.msk [tilespmem:v30+s19+$0x0], $0xffff;
	[tilespmem:s30+$0x0] =	vst v9  }
0xb1: {  	v19 =	vadd.f32 $7.500000000e+00, v12;
	v9 =	vmul.f32 $2.500000000e+00, v18;
	v18 =	vmax.f32 v24, $0.0e+00;
	v12 =	vld.idx.msk [tilespmem:v29+s11+$0x0], $0xffff;
	[tilespmem:s30+$0x10] =	vst v8  }
0xb2: {  	v24 =	vadd.f32 $7.500000000e+00, v10;
	v8 =	vmul.f32 $2.500000000e+00, v15;
	v29 =	vmin.f32 v18, $1.499999900e+01;
	[tilespmem:s29+$0xFFFFFFC0] =	vst v17;
	v10 =	vld.idx.msk [tilespmem:v23+s10+$0x0], $0xffff  }
0xb3: {  	v15 =	vadd.f32 $7.500000000e+00, v9;
	v16 =	vmul.f32 $2.500000000e+00, v16;
	v17 =	vtrunc.f32 v29;
	v9 =	vld.idx.msk [tilespmem:v22+s6+$0x0], $0xffff  }
0xb4: {  	v14 =	vmul.f32 $2.500000000e+00, v14;
	v18 =	vadd.f32 $7.500000000e+00, v8;
	v22 =	vcvt.f32.s32 v17;
	v8 =	vld.idx.msk [tilespmem:v21+s7+$0x0], $0xffff  }
0xb5: {  	v19 =	vmax.f32 v19, $0.0e+00;
	v17 =	vmax.f32 v25, $0.0e+00;
	v16 =	vadd.f32 $7.500000000e+00, v16;
	v31 =	vld.idx.msk [tilespmem:v13+s2+$0x0], $0xffff  }
0xb6: {  	v13 =	vadd.f32 $7.500000000e+00, v14;
	v14 =	vmax.f32 v24, $0.0e+00;
	v21 =	vadd.s32 v0, v22  }
0xb7: {  	v23 =	vmax.f32 v15, $0.0e+00;
	v24 =	vmax.f32 v18, $0.0e+00;
	v25 =	vmax.f32 v16, $0.0e+00  }
0xb8: {  	s28 =	sadd.s32 $0x800, s28;
	v17 =	vmin.f32 v17, $1.499999900e+01;
	v18 =	vmin.f32 v19, $1.499999900e+01;
	v13 =	vmax.f32 v13, $0.0e+00  }
0xb9: {  	s2 =	sand.u32 $0x3800, s28;
	v15 =	vmin.f32 v14, $1.499999900e+01;
	v16 =	vmin.f32 v23, $1.499999900e+01;
	v34 =	vmin.f32 v13, $1.499999900e+01  }
0xba: {  	s20 =	sor.u32 $0x4080, s2;
	s19 =	sor.u32 $0x4180, s2;
	s7 =	sor.u32 $0x4780, s2;
	v19 =	vmin.f32 v24, $1.499999900e+01;
	v14 =	vmin.f32 v25, $1.499999900e+01;
	v13 =	vtrunc.f32 v34  }
0xbb: {  	s11 =	sor.u32 $0x4280, s2;
	s10 =	sor.u32 $0x4380, s2;
	s6 =	sor.u32 $0x4480, s2;
	v23 =	vtrunc.f32 v17;
	v28 =	vtrunc.f32 v18;
	v24 =	vshll.u32 v11, $0x10;
	v32 =	vld.idx.msk [tilespmem:v21+s7+$0x0], $0xffff  }
0xbc: {  	v26 =	vshll.u32 v12, $0x10;
	v30 =	vtrunc.f32 v16;
	v21 =	vtrunc.f32 v15;
	s7 =	sor.u32 $0x4580, s2;
	s2 =	sor.u32 $0x4680, s2  }
0xbd: {  	v33 =	vtrunc.f32 v19;
	v25 =	vshll.u32 v10, $0x10;
	v35 =	vtrunc.f32 v14  }
0xbe: {  	v27 =	vshll.u32 v9, $0x10;
	v36 =	vcvt.f32.s32 v13;
	v13 =	vcvt.s32.f32 v22  }
0xbf: {  	v37 =	vcvt.f32.s32 v23;
	v38 =	vcvt.f32.s32 v28;
	v28 =	vshll.u32 v8, $0x10  }
0xc0: {  	v40 =	vcvt.f32.s32 v30;
	v39 =	vcvt.f32.s32 v21;
	v13 =	vsub.f32 v29, v13  }
0xc1: {  	v41 =	vcvt.f32.s32 v33;
	v33 =	vcvt.f32.s32 v35;
	v21 =	vshll.u32 v32, $0x10  }
0xc2: {  	v30 =	vadd.s32 v0, v37;
	v42 =	vadd.s32 v0, v36;
	v35 =	vmul.f32 v21, v13  }
.Ltmp1:
0xc3: {  	v22 =	vadd.s32 v0, v40;
	v29 =	vadd.s32 v0, v38;
	v23 =	vadd.s32 v0, v39;
	(pc) =	sbr.rel @p1 .LBB2_5-.Ltmp1, $4  }
0xc4: {  	v21 =	vadd.s32 v0, v41;
	v13 =	vadd.s32 v0, v33;
	v43 =	vadd.f32 v32, v35  }
0xc5: {  	s29 =	sadd.s32 $0x80, s29;
	v44 =	vcvt.s32.f32 v36;
	v36 =	vcvt.s32.f32 v37;
	v32 =	vshll.u32 v31, $0x10  }
0xc6: {  	v37 =	vcvt.s32.f32 v38;
	v38 =	vadd.f32 v7, v20;
	v7 =	vmovc v31;
	v35 =	vcvt.s32.f32 v39;
	[tilespmem:s29+$0x30] =	vst v43  }
0xc7: {  	s0 =	sadd.s32 $0x80, s0;
	v20 =	vcvt.s32.f32 v41;
	v34 =	vsub.f32 v34, v44;
	v39 =	vcvt.s32.f32 v40;
	v31 =	vld.idx.msk [tilespmem:v42+s20+$0x0], $0xffff  }
0xc8: {  	_ =	sdelay $0x3  }
0xc9: {  	v17 =	vsub.f32 v17, v36;
	v18 =	vsub.f32 v18, v37;
	v5 =	vmul.f32 v24, v5;
	v51 =	vld.idx.msk [tilespmem:v30+s19+$0x0], $0xffff  }
0xca: {  	v33 =	vcvt.s32.f32 v33;
	[tilespmem:s30+$0x20] =	vst v38;
	v15 =	vsub.f32 v15, v35;
	v2 =	vmul.f32 v26, v2;
	v52 =	vld.idx.msk [tilespmem:v29+s11+$0x0], $0xffff  }
0xcb: {  	v3 =	vmul.f32 v25, v3;
	v6 =	vmul.f32 v27, v6;
	v55 =	vld.idx.msk [tilespmem:v22+s6+$0x0], $0xffff;
	v5 =	vadd.f32 v11, v5  }
0xcc: {  	v53 =	vld.idx.msk [tilespmem:v23+s10+$0x0], $0xffff;
	v1 =	vmul.f32 v32, v1;
	v16 =	vsub.f32 v16, v39;
	v2 =	vadd.f32 v12, v2  }
0xcd: {  	v4 =	vmul.f32 v28, v4;
	v19 =	vsub.f32 v19, v20;
	v3 =	vadd.f32 v10, v3;
	[tilespmem:s25+$0xFFFFFFD0] =	vst v5  }
0xce: {  	v58 =	vld.idx.msk [tilespmem:v13+s2+$0x0], $0xffff;
	v14 =	vsub.f32 v14, v33;
	v1 =	vadd.f32 v7, v1;
	v54 =	vshll.u32 v31, $0x10;
	[tilespmem:s25+$0xFFFFFFE0] =	vst v2  }
0xcf: {  	v57 =	vld.idx.msk [tilespmem:v21+s7+$0x0], $0xffff;
	v2 =	vadd.f32 v9, v6;
	[tilespmem:s25+$0xFFFFFFF0] =	vst v3;
	v56 =	vmul.f32 v54, v34;
	v59 =	vshll.u32 v51, $0x10  }
0xd0: {  	v3 =	vadd.f32 v8, v4;
	[tilespmem:s25+$0x20] =	vst v1;
	v61 =	vshll.u32 v55, $0x10;
	v8 =	vmul.f32 v59, v17  }
0xd1: {  	[tilespmem:s25+$0x0] =	vst v2;
	v2 =	vshll.u32 v52, $0x10;
	v1 =	vmul.f32 v61, v16;
	v60 =	vadd.f32 v31, v56  }
0xd2: {  	[tilespmem:s25+$0x10] =	vst v3;
	v3 =	vshll.u32 v53, $0x10;
	v2 =	vmul.f32 v2, v18;
	v8 =	vadd.f32 v51, v8  }
0xd3: {  	v63 =	vshll.u32 v58, $0x10;
	v3 =	vmul.f32 v3, v15;
	v1 =	vadd.f32 v55, v1;
	[tilespmem:s29+$0xFFFFFFC0] =	vst v60  }
0xd4: {  	v62 =	vshll.u32 v57, $0x10;
	v7 =	vmul.f32 v63, v14;
	v2 =	vadd.f32 v52, v2;
	[tilespmem:s29+$0xFFFFFFD0] =	vst v8  }
0xd5: {  	p1 =	sne.s32 s22, $0xF;
	v9 =	vmul.f32 v62, v19;
	v3 =	vadd.f32 v53, v3;
	[tilespmem:s29+$0x0] =	vst v1  }
.Ltmp2:
0xd6: {  	v1 =	vadd.f32 v58, v7;
	[tilespmem:s29+$0xFFFFFFE0] =	vst v2;
	(pc) =	sbr.rel @p1 .LBB2_8-.Ltmp2, $4  }
0xd7: {  	[tilespmem:s29+$0xFFFFFFF0] =	vst v3;
	v2 =	vadd.f32 v57, v9  }
0xd8: {  	s0 =	sshrl.u32 s26, $0x3;
	[tilespmem:s29+$0x20] =	vst v1  }
0xd9: {  	s0 =	sadd.s32 s3, s0;
	[tilespmem:s29+$0x10] =	vst v2  }
0xda: {  	[hbm4b:s0+s4] =	stream.linear.scatter [tilespmem:s15], [sflag:$0x3], $0x4000, $0x38;
	[tilespmem:$0x18080] =	vst v63  }
.Ltmp3:
0xdb: {  	(pc) =	sbr.rel .LBB2_9-.Ltmp3, $4  }
0xdc: {  	_ = 	snop  }
0xdd: {  	_ =	swait.ge [sflag:s16], $0x4000  }
0xde: {  	[sflag:s16] =	ssyncset.done $0x0  }
0xdf: {  	[sflag:s16] =	ssyncadd.s32 $0xFFFFC000  }
.LBB2_8:
0xe0: {  	s0 =	sadd.s32 s24, s9  }
0xe1: {  	s0 =	sshrl.u32 s0, $0x3  }
.Ltmp4:
0xe2: {  	s0 =	sadd.s32 s1, s0;
	(pc) =	sbr.rel @p0 .LBB2_10-.Ltmp4, $4  }
0xe3: {  	[tilespmem:s12], [sflag:$0x1] =	stream.linear.gather [hbm4b:s0+s4], $0x4000, $0x38;
	[tilespmem:$0x18080] =	vst v63  }
0xe4: {  	_ =	swait.ge [sflag:s16], $0x4000  }
0xe5: {  	[sflag:s16] =	ssyncset.done $0x0  }
0xe6: {  	[sflag:s16] =	ssyncadd.s32 $0xFFFFC000  }
.LBB2_9:
0xe7: {  	_ =	swait.ge [sflag:s17], $0x4000  }
0xe8: {  	[sflag:s17] =	ssyncset.done $0x0  }
0xe9: {  	[sflag:s17] =	ssyncadd.s32 $0xFFFFC000  }
.LBB2_10:
0xea: {  	s24 =	simm.s32 $0x0  }
0xeb: {  	v1 =	vld [tilespmem:s24+$0xC0F0]  }
0xec: {  	v2 =	vld [tilespmem:s24+$0xC080]  }
0xed: {  	v3 =	vld [tilespmem:s24+$0xC090]  }
0xee: {  	v4 =	vld [tilespmem:s24+$0xC0A0]  }
0xef: {  	v5 =	vld [tilespmem:s24+$0xC0B0]  }
0xf0: {  	v6 =	vld [tilespmem:s24+$0xC0C0]  }
0xf1: {  	v7 =	vld [tilespmem:s24+$0xC0D0]  }
0xf2: {  	v8 =	vld [tilespmem:s24+$0xC0E0]  }
0xf3: {  	v1 =	vmul.f32 $2.500000000e+00, v1;
	v2 =	vmul.f32 $2.500000000e+00, v2  }
0xf4: {  	v3 =	vmul.f32 $2.500000000e+00, v3;
	v4 =	vmul.f32 $2.500000000e+00, v4  }
0xf5: {  	v5 =	vmul.f32 $2.500000000e+00, v5;
	v6 =	vmul.f32 $2.500000000e+00, v6  }
0xf6: {  	v7 =	vmul.f32 $2.500000000e+00, v7;
	v1 =	vadd.f32 $7.500000000e+00, v1;
	v2 =	vadd.f32 $7.500000000e+00, v2  }
0xf7: {  	v8 =	vmul.f32 $2.500000000e+00, v8;
	v3 =	vadd.f32 $7.500000000e+00, v3;
	v4 =	vadd.f32 $7.500000000e+00, v4  }
0xf8: {  	v5 =	vadd.f32 $7.500000000e+00, v5;
	v6 =	vadd.f32 $7.500000000e+00, v6  }
0xf9: {  	v7 =	vadd.f32 $7.500000000e+00, v7;
	v8 =	vadd.f32 $7.500000000e+00, v8  }
0xfa: {  	v1 =	vmax.f32 v1, $0.0e+00;
	v2 =	vmax.f32 v2, $0.0e+00;
	v3 =	vmax.f32 v3, $0.0e+00  }
0xfb: {  	v4 =	vmax.f32 v4, $0.0e+00;
	v5 =	vmax.f32 v5, $0.0e+00;
	v6 =	vmax.f32 v6, $0.0e+00  }
0xfc: {  	v7 =	vmax.f32 v7, $0.0e+00;
	v1 =	vmin.f32 v1, $1.499999900e+01;
	v2 =	vmin.f32 v2, $1.499999900e+01  }
0xfd: {  	v4 =	vmin.f32 v4, $1.499999900e+01;
	v5 =	vmin.f32 v5, $1.499999900e+01;
	v9 =	vtrunc.f32 v1  }
0xfe: {  	v6 =	vmin.f32 v6, $1.499999900e+01;
	v11 =	vtrunc.f32 v2;
	v13 =	vtrunc.f32 v4  }
0xff: {  	v8 =	vmax.f32 v8, $0.0e+00;
	v14 =	vtrunc.f32 v5;
	v15 =	vtrunc.f32 v6  }
0x100: {  	v3 =	vmin.f32 v3, $1.499999900e+01;
	v9 =	vcvt.f32.s32 v9;
	v11 =	vcvt.f32.s32 v11  }
0x101: {  	v12 =	vmin.f32 v7, $1.499999900e+01;
	v13 =	vcvt.f32.s32 v13;
	v15 =	vcvt.f32.s32 v15  }
0x102: {  	s25 =	simm.s32 $0x80;
	v10 =	vadd.s32 v0, v9;
	v17 =	vadd.s32 v0, v11;
	v11 =	vcvt.s32.f32 v11  }
0x103: {  	v23 =	vld [tilespmem:s25+$0xC0F0];
	v14 =	vcvt.f32.s32 v14;
	v20 =	vadd.s32 v0, v13;
	v13 =	vcvt.s32.f32 v13  }
0x104: {  	s0 =	simm.s32 $0x0;
	v22 =	vadd.s32 v0, v15;
	v15 =	vcvt.s32.f32 v15;
	v2 =	vsub.f32 v2, v11;
	v11 =	vld [tilespmem:s25+$0xC090]  }
0x105: {  	s2 =	sand.u32 $0x3800, s0;
	v9 =	vcvt.s32.f32 v9;
	v21 =	vadd.s32 v0, v14;
	v25 =	vsub.f32 v4, v13;
	v4 =	vld [tilespmem:s25+$0xC0B0]  }
0x106: {  	s0 =	sor.u32 $0x4780, s2;
	v8 =	vmin.f32 v8, $1.499999900e+01;
	v16 =	vtrunc.f32 v12;
	v15 =	vsub.f32 v6, v15;
	v6 =	vld [tilespmem:s25+$0xC0C0]  }
0x107: {  	s20 =	sor.u32 $0x4080, s2;
	v7 =	vtrunc.f32 v3;
	v1 =	vsub.f32 v1, v9;
	v9 =	vcvt.f32.s32 v16;
	v10 =	vld.idx.msk [tilespmem:v10+s0+$0x0], $0xffff  }
0x108: {  	s6 =	sor.u32 $0x4280, s2;
	v18 =	vtrunc.f32 v8;
	v14 =	vcvt.s32.f32 v14;
	v17 =	vld.idx.msk [tilespmem:v17+s20+$0x0], $0xffff  }
0x109: {  	s7 =	sor.u32 $0x4380, s2;
	v16 =	vcvt.f32.s32 v18;
	v24 =	vadd.s32 v0, v9;
	v9 =	vcvt.s32.f32 v9;
	v20 =	vld.idx.msk [tilespmem:v20+s6+$0x0], $0xffff  }
0x10a: {  	s10 =	sor.u32 $0x4480, s2;
	v19 =	vcvt.f32.s32 v7;
	v14 =	vsub.f32 v5, v14;
	v21 =	vld.idx.msk [tilespmem:v21+s7+$0x0], $0xffff  }
0x10b: {  	v5 =	vcvt.s32.f32 v16;
	v22 =	vld.idx.msk [tilespmem:v22+s10+$0x0], $0xffff;
	v9 =	vsub.f32 v12, v9;
	v12 =	vmul.f32 $2.500000000e+00, v23  }
0x10c: {  	v18 =	vadd.s32 v0, v19;
	v4 =	vmul.f32 $2.500000000e+00, v4;
	v6 =	vmul.f32 $2.500000000e+00, v6  }
0x10d: {  	v8 =	vsub.f32 v8, v5;
	v5 =	vmul.f32 $2.500000000e+00, v11;
	v12 =	vadd.f32 $7.500000000e+00, v12  }
0x10e: {  	v11 =	vld [tilespmem:s25+$0xC0E0];
	v4 =	vadd.f32 $7.500000000e+00, v4;
	v6 =	vadd.f32 $7.500000000e+00, v6;
	v7 =	vshll.u32 v10, $0x10  }
0x10f: {  	v13 =	vshll.u32 v17, $0x10;
	v31 =	vshll.u32 v20, $0x10;
	v34 =	vshll.u32 v21, $0x10  }
0x110: {  	s11 =	sor.u32 $0x4580, s2;
	v35 =	vshll.u32 v22, $0x10;
	v1 =	vmul.f32 v7, v1;
	v2 =	vmul.f32 v13, v2  }
0x111: {  	v24 =	vld.idx.msk [tilespmem:v24+s11+$0x0], $0xffff;
	v4 =	vmax.f32 v4, $0.0e+00;
	v6 =	vmax.f32 v6, $0.0e+00;
	v14 =	vmul.f32 v34, v14  }
0x112: {  	v7 =	vadd.f32 v10, v1;
	v1 =	vcvt.s32.f32 v19;
	v19 =	vadd.s32 v0, v16;
	v16 =	vld [tilespmem:s25+$0xC0D0]  }
0x113: {  	v15 =	vmul.f32 v35, v15;
	v11 =	vmul.f32 $2.500000000e+00, v11;
	v4 =	vmin.f32 v4, $1.499999900e+01  }
0x114: {  	v6 =	vmin.f32 v6, $1.499999900e+01;
	v13 =	vadd.f32 v17, v2;
	v2 =	vadd.f32 $7.500000000e+00, v5  }
0x115: {  	v10 =	vld [tilespmem:s25+$0xC080];
	v5 =	vmax.f32 v12, $0.0e+00;
	v29 =	vtrunc.f32 v4;
	v30 =	vtrunc.f32 v6  }
0x116: {  	v22 =	vadd.f32 v22, v15;
	v5 =	vmin.f32 v5, $1.499999900e+01;
	v11 =	vadd.f32 $7.500000000e+00, v11  }
0x117: {  	v36 =	vshll.u32 v24, $0x10;
	v12 =	vmul.f32 $2.500000000e+00, v16;
	v16 =	vtrunc.f32 v5  }
0x118: {  	v29 =	vcvt.f32.s32 v29;
	v1 =	vsub.f32 v3, v1;
	v3 =	vld [tilespmem:s25+$0xC0A0];
	v16 =	vcvt.f32.s32 v16  }
0x119: {  	s26 =	sor.u32 $0x4180, s2;
	v30 =	vcvt.f32.s32 v30;
	v2 =	vmax.f32 v2, $0.0e+00;
	v9 =	vmul.f32 v36, v9  }
0x11a: {  	v17 =	vld.idx.msk [tilespmem:v18+s26+$0x0], $0xffff;
	v2 =	vmin.f32 v2, $1.499999900e+01;
	v10 =	vmul.f32 $2.500000000e+00, v10;
	v18 =	vadd.s32 v0, v16  }
0x11b: {  	v11 =	vmax.f32 v11, $0.0e+00;
	v40 =	vadd.s32 v0, v30;
	v30 =	vcvt.s32.f32 v30  }
0x11c: {  	s19 =	simm.s32 $0x800;
	v11 =	vmin.f32 v11, $1.499999900e+01;
	v26 =	vtrunc.f32 v2;
	v10 =	vadd.f32 $7.500000000e+00, v10  }
0x11d: {  	s0 =	sand.u32 $0x3800, s19;
	v39 =	vadd.s32 v0, v29;
	v33 =	vtrunc.f32 v11;
	v3 =	vmul.f32 $2.500000000e+00, v3  }
0x11e: {  	s6 =	sor.u32 $0x4780, s0;
	v26 =	vcvt.f32.s32 v26;
	v48 =	vcvt.f32.s32 v33;
	v10 =	vmax.f32 v10, $0.0e+00  }
0x11f: {  	v12 =	vadd.f32 $7.500000000e+00, v12;
	v3 =	vadd.f32 $7.500000000e+00, v3;
	v10 =	vmin.f32 v10, $1.499999900e+01;
	v18 =	vld.idx.msk [tilespmem:v18+s6+$0x0], $0xffff  }
0x120: {  	v16 =	vcvt.s32.f32 v16;
	v42 =	vadd.s32 v0, v48;
	v23 =	vtrunc.f32 v10  }
0x121: {  	v12 =	vmax.f32 v12, $0.0e+00;
	v3 =	vmax.f32 v3, $0.0e+00;
	v23 =	vcvt.f32.s32 v23  }
0x122: {  	s2 =	sor.u32 $0x4680, s2;
	v12 =	vmin.f32 v12, $1.499999900e+01;
	v5 =	vsub.f32 v5, v16;
	v3 =	vmin.f32 v3, $1.499999900e+01  }
0x123: {  	v19 =	vld.idx.msk [tilespmem:v19+s2+$0x0], $0xffff;
	v32 =	vtrunc.f32 v12;
	v27 =	vtrunc.f32 v3;
	v37 =	vadd.s32 v0, v23  }
0x124: {  	s20 =	sor.u32 $0x4080, s0;
	s7 =	sor.u32 $0x4280, s0;
	v16 =	vcvt.f32.s32 v32;
	v27 =	vcvt.f32.s32 v27;
	v49 =	vshll.u32 v18, $0x10  }
0x125: {  	s10 =	sor.u32 $0x4380, s0;
	s19 =	sor.u32 $0x4580, s0;
	s26 =	simm.s32 $0x100;
	v52 =	vadd.f32 v24, v9;
	v28 =	vshll.u32 v17, $0x10;
	v5 =	vmul.f32 v49, v5  }
0x126: {  	s11 =	sor.u32 $0x4480, s0;
	v51 =	vld [tilespmem:s26+$0xC0F0];
	v38 =	vadd.s32 v0, v26;
	s6 =	sor.u32 $0x4180, s0;
	s0 =	sor.u32 $0x4680, s0;
	v41 =	vadd.s32 v0, v16;
	v50 =	vadd.s32 v0, v27  }
0x127: {  	[tilespmem:s24+$0x140F0] =	vst v7;
	v7 =	vld.idx.msk [tilespmem:v42+s0+$0x0], $0xffff;
	v43 =	vadd.f32 v18, v5;
	v5 =	vcvt.s32.f32 v23;
	v18 =	vcvt.s32.f32 v26  }
0x128: {  	v23 =	vshll.u32 v19, $0x10;
	v26 =	vcvt.s32.f32 v27;
	v27 =	vcvt.s32.f32 v29;
	v29 =	vld.idx.msk [tilespmem:v37+s20+$0x0], $0xffff  }
0x129: {  	v16 =	vcvt.s32.f32 v16;
	v44 =	vmul.f32 v23, v8;
	v8 =	vld [tilespmem:s26+$0xC0C0];
	v10 =	vsub.f32 v10, v5  }
0x12a: {  	v5 =	vsub.f32 v2, v18;
	v2 =	vsub.f32 v3, v26;
	v18 =	vcvt.s32.f32 v48;
	v26 =	vld [tilespmem:s26+$0xC080]  }
0x12b: {  	v6 =	vsub.f32 v6, v30;
	v3 =	vsub.f32 v4, v27;
	v27 =	vmul.f32 v28, v1;
	v28 =	vld [tilespmem:s26+$0xC090]  }
0x12c: {  	v4 =	vsub.f32 v12, v16;
	v12 =	vld [tilespmem:s26+$0xC0A0];
	v1 =	vsub.f32 v11, v18;
	v11 =	vmul.f32 v31, v25  }
0x12d: {  	v32 =	vshll.u32 v7, $0x10;
	v23 =	vadd.f32 v21, v14;
	v16 =	vld [tilespmem:s26+$0xC0B0];
	v30 =	vadd.f32 v17, v27  }
0x12e: {  	v17 =	vshll.u32 v29, $0x10;
	v31 =	vadd.f32 v20, v11;
	v11 =	vmul.f32 $2.500000000e+00, v51  }
0x12f: {  	v19 =	vadd.f32 v19, v44;
	v10 =	vmul.f32 v17, v10;
	v8 =	vmul.f32 $2.500000000e+00, v8  }
0x130: {  	v18 =	vld [tilespmem:s26+$0xC0D0];
	v14 =	vmul.f32 $2.500000000e+00, v26;
	v15 =	vmul.f32 $2.500000000e+00, v28;
	v11 =	vadd.f32 $7.500000000e+00, v11  }
0x131: {  	v17 =	vld [tilespmem:s26+$0xC0E0];
	v12 =	vmul.f32 $2.500000000e+00, v12;
	v53 =	vadd.f32 v29, v10;
	v8 =	vadd.f32 $7.500000000e+00, v8  }
0x132: {  	v9 =	vadd.f32 $7.500000000e+00, v14;
	v14 =	vmul.f32 $2.500000000e+00, v16;
	v11 =	vmax.f32 v11, $0.0e+00  }
0x133: {  	v10 =	vadd.f32 $7.500000000e+00, v15;
	v12 =	vadd.f32 $7.500000000e+00, v12;
	v24 =	vmin.f32 v11, $1.499999900e+01  }
0x134: {  	v8 =	vmax.f32 v8, $0.0e+00;
	v14 =	vadd.f32 $7.500000000e+00, v14;
	v15 =	vtrunc.f32 v24  }
0x135: {  	v11 =	vmul.f32 $2.500000000e+00, v18;
	v9 =	vmax.f32 v9, $0.0e+00;
	v28 =	vcvt.f32.s32 v15  }
0x136: {  	v16 =	vmul.f32 $2.500000000e+00, v17;
	v18 =	vmax.f32 v12, $0.0e+00;
	v21 =	vmin.f32 v9, $1.499999900e+01  }
0x137: {  	v20 =	vmin.f32 v18, $1.499999900e+01;
	v15 =	vmax.f32 v10, $0.0e+00;
	v26 =	vadd.s32 v0, v28  }
0x138: {  	v10 =	vadd.f32 $7.500000000e+00, v11;
	v16 =	vadd.f32 $7.500000000e+00, v16;
	v14 =	vmax.f32 v14, $0.0e+00  }
0x139: {  	s28 =	simm.s32 $0x1000;
	v12 =	vld.idx.msk [tilespmem:v50+s7+$0x0], $0xffff;
	v29 =	vtrunc.f32 v21;
	v55 =	vtrunc.f32 v20;
	v17 =	vmin.f32 v15, $1.499999900e+01  }
0x13a: {  	v61 =	vcvt.f32.s32 v29;
	v27 =	vmax.f32 v16, $0.0e+00;
	v16 =	vmin.f32 v8, $1.499999900e+01;
	v8 =	vld.idx.msk [tilespmem:v41+s19+$0x0], $0xffff;
	s19 =	sand.u32 $0x3800, s28  }
0x13b: {  	v9 =	vld.idx.msk [tilespmem:v40+s11+$0x0], $0xffff;
	v15 =	vmin.f32 v14, $1.499999900e+01;
	v45 =	vcvt.f32.s32 v55;
	v54 =	vtrunc.f32 v17;
	s20 =	sor.u32 $0x4780, s19  }
0x13c: {  	[tilespmem:s24+$0x14080] =	vst v13;
	v25 =	vmax.f32 v10, $0.0e+00;
	v57 =	vtrunc.f32 v15;
	v13 =	vcvt.s32.f32 v28;
	v56 =	vld.idx.msk [tilespmem:v26+s20+$0x0], $0xffff  }
0x13d: {  	v11 =	vld.idx.msk [tilespmem:v38+s6+$0x0], $0xffff;
	v18 =	vmin.f32 v25, $1.499999900e+01;
	v14 =	vmin.f32 v27, $1.499999900e+01;
	v58 =	vtrunc.f32 v16  }
0x13e: {  	v27 =	vshll.u32 v12, $0x10;
	v62 =	vcvt.f32.s32 v54;
	v63 =	vcvt.f32.s32 v57  }
0x13f: {  	[tilespmem:s24+$0x14090] =	vst v30;
	v36 =	vadd.s32 v0, v61;
	v30 =	vadd.s32 v0, v45;
	v40 =	vcvt.s32.f32 v61  }
0x140: {  	[tilespmem:s24+$0x140C0] =	vst v22;
	v10 =	vld.idx.msk [tilespmem:v39+s10+$0x0], $0xffff;
	v39 =	vcvt.s32.f32 v45;
	v59 =	vtrunc.f32 v18;
	v13 =	vsub.f32 v24, v13  }
0x141: {  	[tilespmem:s24+$0x140D0] =	vst v52;
	v60 =	vtrunc.f32 v14;
	v28 =	vshll.u32 v9, $0x10;
	v24 =	vshll.u32 v56, $0x10  }
0x142: {  	[tilespmem:s25+$0x140F0] =	vst v43;
	v34 =	vcvt.f32.s32 v58;
	v25 =	vshll.u32 v11, $0x10;
	v13 =	vmul.f32 v24, v13  }
0x143: {  	[tilespmem:s24+$0x140A0] =	vst v31;
	v35 =	vcvt.f32.s32 v59;
	v33 =	vcvt.f32.s32 v60;
	v31 =	vadd.s32 v0, v62  }
0x144: {  	s29 =	simm.s32 $0x10;
	s31 =	simm.s32 $0x600;
	[tilespmem:s24+$0x140B0] =	vst v23;
	s11 =	sor.u32 $0x4080, s19;
	v38 =	vcvt.s32.f32 v62;
	v37 =	vcvt.s32.f32 v63;
	v46 =	vadd.f32 v56, v13  }
0x145: {  	[tilespmem:s25+$0x14080] =	vst v53;
	s7 =	sor.u32 $0x4180, s19;
	s10 =	sor.u32 $0x4280, s19;
	s6 =	sor.u32 $0x4380, s19;
	v23 =	vadd.s32 v0, v34;
	v26 =	vshll.u32 v10, $0x10;
	v29 =	vshll.u32 v8, $0x10  }
0x146: {  	s0 =	sor.u32 $0x4480, s19;
	s2 =	sor.u32 $0x4580, s19;
	s30 =	sor.u32 $0x4680, s19;
	v22 =	vadd.s32 v0, v35;
	v24 =	vadd.s32 v0, v63;
	v13 =	vadd.s32 v0, v33;
	[tilespmem:s26+$0x140F0] =	vst v46  }
.LBB2_11:
0x147: {  	s19 =	sshra.s32 s31, $0x2;
	s29 =	sadd.s32 $0x8, s29;
	v21 =	vsub.f32 v21, v40;
	v36 =	vld.idx.msk [tilespmem:v36+s11+$0x0], $0xffff;
	v34 =	vcvt.s32.f32 v34;
	v35 =	vcvt.s32.f32 v35  }
0x148: {  	v17 =	vsub.f32 v17, v38;
	v33 =	vcvt.s32.f32 v33;
	v40 =	vld [tilespmem:s19+$0xC0F0];
	p0 =	slt.u32 s29, $0x3F8;
	v20 =	vsub.f32 v20, v39;
	[tilespmem:s24+$0x140E0] =	vst v19;
	s24 =	smov.u32 s25;
	s25 =	smov.u32 s26  }
0x149: {  	v15 =	vsub.f32 v15, v37;
	v19 =	vmul.f32 v25, v5;
	s26 =	smov.u32 s19;
	v38 =	vld [tilespmem:s19+$0xC080];
	v16 =	vsub.f32 v16, v34  }
0x14a: {  	v27 =	vmul.f32 v27, v2;
	v18 =	vsub.f32 v18, v35;
	v14 =	vsub.f32 v14, v33;
	v5 =	vmovc v17;
	v25 =	vld [tilespmem:s26+$0xC090]  }
0x14b: {  	v26 =	vmul.f32 v26, v3;
	v28 =	vmul.f32 v28, v6;
	v11 =	vadd.f32 v11, v19;
	v2 =	vmovc v20;
	v17 =	vld [tilespmem:s26+$0xC0A0]  }
0x14c: {  	v12 =	vadd.f32 v12, v27;
	v27 =	vmul.f32 v29, v4;
	v19 =	vmul.f32 v32, v1;
	v3 =	vmovc v15;
	v20 =	vld [tilespmem:s26+$0xC0B0]  }
0x14d: {  	v10 =	vadd.f32 v10, v26;
	v6 =	vmovc v16;
	v4 =	vmovc v18;
	v32 =	vshll.u32 v36, $0x10;
	v15 =	vld [tilespmem:s26+$0xC0C0];
	v29 =	vmul.f32 $2.500000000e+00, v40;
	[tilespmem:s24+$0x14090] =	vst v11  }
0x14e: {  	v9 =	vadd.f32 v9, v28;
	v1 =	vmovc v14;
	v18 =	vmul.f32 v32, v21;
	v11 =	vmul.f32 $2.500000000e+00, v38;
	v16 =	vld [tilespmem:s26+$0xC0D0];
	[tilespmem:s24+$0x140A0] =	vst v12  }
0x14f: {  	v8 =	vadd.f32 v8, v27;
	v12 =	vmul.f32 $2.500000000e+00, v25;
	v14 =	vld [tilespmem:s26+$0xC0E0];
	v21 =	vadd.f32 $7.500000000e+00, v29;
	[tilespmem:s24+$0x140B0] =	vst v10  }
0x150: {  	v25 =	vadd.f32 $7.500000000e+00, v11;
	v10 =	vmul.f32 $2.500000000e+00, v17;
	v17 =	vadd.f32 v36, v18;
	v11 =	vld.idx.msk [tilespmem:v31+s7+$0x0], $0xffff;
	[tilespmem:s24+$0x140C0] =	vst v9  }
0x151: {  	v18 =	vadd.f32 $7.500000000e+00, v12;
	v9 =	vmul.f32 $2.500000000e+00, v20;
	v20 =	vmax.f32 v21, $0.0e+00;
	v12 =	vld.idx.msk [tilespmem:v30+s10+$0x0], $0xffff;
	[tilespmem:s24+$0x140D0] =	vst v8  }
0x152: {  	v21 =	vadd.f32 $7.500000000e+00, v10;
	v8 =	vmul.f32 $2.500000000e+00, v15;
	v30 =	vmin.f32 v20, $1.499999900e+01;
	[tilespmem:s25+$0x14080] =	vst v17;
	v10 =	vld.idx.msk [tilespmem:v24+s6+$0x0], $0xffff  }
0x153: {  	v15 =	vadd.f32 $7.500000000e+00, v9;
	v16 =	vmul.f32 $2.500000000e+00, v16;
	v17 =	vtrunc.f32 v30;
	v9 =	vld.idx.msk [tilespmem:v23+s0+$0x0], $0xffff  }
0x154: {  	v20 =	vadd.f32 $7.500000000e+00, v8;
	v14 =	vmul.f32 $2.500000000e+00, v14;
	v23 =	vcvt.f32.s32 v17;
	v8 =	vld.idx.msk [tilespmem:v22+s2+$0x0], $0xffff  }
0x155: {  	v18 =	vmax.f32 v18, $0.0e+00;
	v17 =	vmax.f32 v25, $0.0e+00;
	v16 =	vadd.f32 $7.500000000e+00, v16;
	v41 =	vld.idx.msk [tilespmem:v13+s30+$0x0], $0xffff  }
0x156: {  	v13 =	vmax.f32 v21, $0.0e+00;
	v14 =	vadd.f32 $7.500000000e+00, v14;
	v22 =	vadd.s32 v0, v23  }
0x157: {  	v15 =	vmax.f32 v15, $0.0e+00;
	v24 =	vmax.f32 v20, $0.0e+00;
	v25 =	vmax.f32 v16, $0.0e+00  }
0x158: {  	s28 =	sadd.s32 $0x800, s28;
	v21 =	vmin.f32 v17, $1.499999900e+01;
	v17 =	vmin.f32 v18, $1.499999900e+01;
	v14 =	vmax.f32 v14, $0.0e+00  }
0x159: {  	s19 =	sand.u32 $0x3800, s28;
	v20 =	vmin.f32 v13, $1.499999900e+01;
	v15 =	vmin.f32 v15, $1.499999900e+01;
	v16 =	vmin.f32 v24, $1.499999900e+01  }
0x15a: {  	s11 =	sor.u32 $0x4080, s19;
	s7 =	sor.u32 $0x4180, s19;
	s2 =	sor.u32 $0x4780, s19;
	v13 =	vtrunc.f32 v21;
	v18 =	vmin.f32 v25, $1.499999900e+01;
	v14 =	vmin.f32 v14, $1.499999900e+01  }
0x15b: {  	s10 =	sor.u32 $0x4280, s19;
	s6 =	sor.u32 $0x4380, s19;
	s0 =	sor.u32 $0x4480, s19;
	v24 =	vtrunc.f32 v17;
	v29 =	vtrunc.f32 v20;
	v25 =	vshll.u32 v11, $0x10;
	v32 =	vld.idx.msk [tilespmem:v22+s2+$0x0], $0xffff  }
0x15c: {  	s30 =	sor.u32 $0x4680, s19;
	v27 =	vshll.u32 v12, $0x10;
	v31 =	vtrunc.f32 v16;
	v22 =	vtrunc.f32 v15;
	s2 =	sor.u32 $0x4580, s19  }
0x15d: {  	v26 =	vshll.u32 v10, $0x10;
	v33 =	vtrunc.f32 v18;
	v36 =	vtrunc.f32 v14  }
0x15e: {  	v37 =	vcvt.f32.s32 v13;
	v13 =	vcvt.s32.f32 v23;
	v28 =	vshll.u32 v9, $0x10  }
0x15f: {  	v38 =	vcvt.f32.s32 v24;
	v39 =	vcvt.f32.s32 v29;
	v29 =	vshll.u32 v8, $0x10  }
0x160: {  	v34 =	vcvt.f32.s32 v31;
	v13 =	vsub.f32 v30, v13;
	v42 =	vcvt.f32.s32 v22  }
0x161: {  	v35 =	vcvt.f32.s32 v33;
	v33 =	vcvt.f32.s32 v36;
	v22 =	vshll.u32 v32, $0x10  }
.Ltmp5:
0x162: {  	v31 =	vadd.s32 v0, v38;
	v36 =	vadd.s32 v0, v37;
	v40 =	vmul.f32 v22, v13;
	(pc) =	sbr.rel @p0 .LBB2_11-.Ltmp5, $4  }
0x163: {  	v30 =	vadd.s32 v0, v39;
	v23 =	vadd.s32 v0, v34;
	v24 =	vadd.s32 v0, v42  }
0x164: {  	v22 =	vadd.s32 v0, v35;
	v13 =	vadd.s32 v0, v33;
	v43 =	vadd.f32 v32, v40  }
0x165: {  	v38 =	vcvt.s32.f32 v38;
	v40 =	vcvt.s32.f32 v37;
	v32 =	vshll.u32 v41, $0x10  }
0x166: {  	s31 =	sadd.s32 $0x200, s31;
	v19 =	vadd.f32 v7, v19;
	v39 =	vcvt.s32.f32 v39;
	v7 =	vmovc v41;
	v37 =	vcvt.s32.f32 v42;
	[tilespmem:s26+$0x140F0] =	vst v43  }
0x167: {  	_ =	sdelay $0x3  }
0x168: {  	v36 =	vld.idx.msk [tilespmem:v36+s11+$0x0], $0xffff  }
0x169: {  	v21 =	vsub.f32 v21, v40;
	v34 =	vcvt.s32.f32 v34;
	v35 =	vcvt.s32.f32 v35;
	v51 =	vld.idx.msk [tilespmem:v31+s7+$0x0], $0xffff  }
0x16a: {  	v17 =	vsub.f32 v17, v38;
	v33 =	vcvt.s32.f32 v33;
	v5 =	vmul.f32 v25, v5;
	v52 =	vld.idx.msk [tilespmem:v30+s10+$0x0], $0xffff  }
0x16b: {  	v2 =	vmul.f32 v27, v2;
	v3 =	vmul.f32 v26, v3;
	v53 =	vld.idx.msk [tilespmem:v24+s6+$0x0], $0xffff;
	v20 =	vsub.f32 v20, v39  }
0x16c: {  	v6 =	vmul.f32 v28, v6;
	v55 =	vld.idx.msk [tilespmem:v23+s0+$0x0], $0xffff;
	v15 =	vsub.f32 v15, v37;
	v5 =	vadd.f32 v11, v5  }
0x16d: {  	v1 =	vmul.f32 v32, v1;
	[tilespmem:s24+$0x140E0] =	vst v19;
	v16 =	vsub.f32 v16, v34;
	v2 =	vadd.f32 v12, v2  }
0x16e: {  	v4 =	vmul.f32 v29, v4;
	v18 =	vsub.f32 v18, v35;
	v3 =	vadd.f32 v10, v3;
	[tilespmem:s25+$0x14090] =	vst v5  }
0x16f: {  	v58 =	vld.idx.msk [tilespmem:v13+s30+$0x0], $0xffff;
	v14 =	vsub.f32 v14, v33;
	v1 =	vadd.f32 v7, v1;
	[tilespmem:s25+$0x140A0] =	vst v2;
	v54 =	vshll.u32 v36, $0x10  }
0x170: {  	v57 =	vld.idx.msk [tilespmem:v22+s2+$0x0], $0xffff;
	v2 =	vadd.f32 v9, v6;
	[tilespmem:s25+$0x140B0] =	vst v3;
	v59 =	vshll.u32 v51, $0x10;
	v56 =	vmul.f32 v54, v21  }
0x171: {  	v3 =	vadd.f32 v8, v4;
	[tilespmem:s25+$0x140E0] =	vst v1;
	v61 =	vshll.u32 v55, $0x10;
	v8 =	vmul.f32 v59, v17  }
0x172: {  	[tilespmem:s25+$0x140C0] =	vst v2;
	v2 =	vshll.u32 v52, $0x10;
	v1 =	vmul.f32 v61, v16;
	v60 =	vadd.f32 v36, v56  }
0x173: {  	[tilespmem:s25+$0x140D0] =	vst v3;
	v3 =	vshll.u32 v53, $0x10;
	v2 =	vmul.f32 v2, v20;
	v8 =	vadd.f32 v51, v8  }
0x174: {  	v63 =	vshll.u32 v58, $0x10;
	v3 =	vmul.f32 v3, v15;
	v1 =	vadd.f32 v55, v1;
	[tilespmem:s26+$0x14080] =	vst v60  }
0x175: {  	s22 =	sadd.s32 $0x1, s22;
	v62 =	vshll.u32 v57, $0x10;
	v7 =	vmul.f32 v63, v14;
	v2 =	vadd.f32 v52, v2;
	[tilespmem:s26+$0x14090] =	vst v8  }
0x176: {  	p0 =	sne.s32 s22, $0x10;
	v9 =	vmul.f32 v62, v18;
	v3 =	vadd.f32 v53, v3;
	[tilespmem:s26+$0x140C0] =	vst v1  }
.Ltmp6:
0x177: {  	v1 =	vadd.f32 v58, v7;
	[tilespmem:s26+$0x140A0] =	vst v2;
	(pc) =	sbr.rel @p0 .LBB2_4-.Ltmp6, $4  }
0x178: {  	[tilespmem:s26+$0x140B0] =	vst v3;
	v2 =	vadd.f32 v57, v9  }
0x179: {  	[tilespmem:s26+$0x140E0] =	vst v1  }
0x17a: {  	s31 =	sadd.s32 s3, s23;
	[tilespmem:s26+$0x140D0] =	vst v2  }
0x17b: {  	[hbm4b:s31+s4] =	stream.linear.scatter [tilespmem:s18], [sflag:$0x4], $0x4000, $0x38;
	[tilespmem:$0x18080] =	vst v63  }
0x17c: {  	s0 =	simm.s32 $0x3  }
0x17d: {  	_ =	swait.ge [sflag:s0], $0x4000  }
0x17e: {  	[sflag:s0] =	ssyncset.done $0x0  }
0x17f: {  	[sflag:s0] =	ssyncadd.s32 $0xFFFFC000  }
0x180: {  	_ =	swait.ge [sflag:s17], $0x4000  }
0x181: {  	s2 =	rddreg [dreg:$0x7]  }
0x182: {  	s31 =	rddreg [dreg:$0x6];
	s2 =	sadd.s32 $0x1, s2  }
0x183: {  	p0 =	sne.s32 s2, s31  }
.Ltmp7:
0x184: {  	_ = 	snop;
	(pc) =	sbr.rel @p0 .LBB2_1-.Ltmp7, $3  }
0x185: {  	_ =	sdelay $0x1  }
0x186: {  	[sflag:s17] =	ssyncset.done $0x0  }
0x187: {  	[sflag:s17] =	ssyncadd.s32 $0xFFFFC000  }
0x188: {  	_ =	sfence.sel $0x180000  }
0x189: {  	[bflag:$0x0] =	sbarrier.arrive $0xFFFF  }
0x18a: {  	_ =	strace $0x90000047  }
0x18b: {  	s0 =	stileid.u32;
	[bflag:$0x2] =	sbarrier.arrive $0xFFFF  }
0x18c: {  	p0 =	sne.s32 s0, $0x0;
	s0 =	rddreg [dreg:$0x3]  }
0x18d: {  	s0 =	sadd.s32 @!p0 $0x100000, s0  }
0x18e: {  	[sflag:s0] =	ssyncadd.tile.s32 @!p0 $0x1;
	_ =	shalt  }
.Lfunc_end2:
_tile_overlayer_lowered:
.L_overlay_start_2:
0x18f: {  	(tag) =	ssettag $0x2  }
0x190: {  	s0 =	rddreg [dreg:$0x0];
	s2 =	stileid.u32  }
0x191: {  	s1 =	rddreg [dreg:$0x1];
	p0 =	sne.s32 s2, $0x0  }
0x192: {  	s3 =	rddreg [dreg:$0x2];
	[bflag:$0x3] =	sbarrier.arrive $0xFFFF;
	s2 =	simm.s32 @!p0 $0x1C05  }
0x193: {  	[timem:s3], [sflag:s2] =	dma.local @!p0 [hbm:s0], s1  }
0x194: {  	s0 =	simm.s32 @!p0 $0x5  }
0x195: {  	_ =	swait.ge @!p0 [sflag:s0], s1  }
0x196: {  	s1 =	ssub.s32 @!p0 $0x0, s1;
	[sflag:s0] =	ssyncset.done @!p0 $0x0  }
0x197: {  	[sflag:s0] =	ssyncadd.s32 @!p0 s1  }
0x198: {  	[bflag:$0x3] =	sbarrier.arrive $0xFFFF  }
0x199: {  	_ =	shalt  }

</sc_bundles>
